<compile_context>
chip_gen: v7x
topology: tpu7x:2x2x1
jax: 0.10.2.dev20260603
libtpu: 0.0.44.dev20260713+nightly
codegen_flags: <defaults>
</compile_context>

<pallas_src>
import jax
import jax.numpy as jnp
from jax import lax
from jax.experimental import pallas as pl
from jax.experimental.pallas import tpu as pltpu
from jax.experimental.pallas import tpu_sc as plsc

N_RAYS = 1048576
RAY_DIM = 16
NUM_VIEWS = 1000
TABLE_COLS = 12

_NC, _NS, _L = 2, 16, 16
_NW = _NC * _NS
_ROWS_PER_W = N_RAYS // _NW
_CHUNK = 2048
_N_CHUNKS = _ROWS_PER_W // _CHUNK


def _sc_body(rays_t_hbm, table_hbm, out9_t_hbm, out3_t_hbm,
             ids_v, table_v, col_v, isem0, isem1, osem0, osem1):
    wid = lax.axis_index("s") * _NC + lax.axis_index("c")
    base_w = wid * _ROWS_PER_W
    isems = (isem0, isem1)
    osems = (osem0, osem1)
    pltpu.sync_copy(table_hbm, table_v)

    def in_copy(ci, b):
        return pltpu.make_async_copy(
            rays_t_hbm.at[pl.ds(RAY_DIM - 2, 1),
                          pl.ds(base_w + ci * _CHUNK, _CHUNK)],
            ids_v.at[pl.ds(b, 1), pl.ds(0, _CHUNK)],
            isems[b])

    def out_copies(ci, b):
        base = base_w + ci * _CHUNK
        cps = [
            pltpu.make_async_copy(
                col_v.at[pl.ds(b * 16, 8), pl.ds(0, _CHUNK)],
                out9_t_hbm.at[pl.ds(0, 8), pl.ds(base, _CHUNK)],
                osems[b]),
            pltpu.make_async_copy(
                col_v.at[pl.ds(b * 16 + 8, 1), pl.ds(0, _CHUNK)],
                out9_t_hbm.at[pl.ds(8, 1), pl.ds(base, _CHUNK)],
                osems[b]),
        ]
        for c in range(3):
            cps.append(pltpu.make_async_copy(
                col_v.at[pl.ds(b * 16 + 9 + c, 1), pl.ds(0, _CHUNK)],
                out3_t_hbm.at[pl.ds(c, 1), pl.ds(base, _CHUNK)],
                osems[b]))
        return cps

    in_copy(0, 0).start()

    def outer(g, carry):
        for b in range(2):
            ci = g * 2 + b

            @pl.when(ci + 1 < _N_CHUNKS)
            def _():
                in_copy(ci + 1, 1 - b).start()

            in_copy(ci, b).wait()

            @pl.when(g >= 1)
            def _():
                for cp in out_copies(ci - 2, b):
                    cp.wait()

            @plsc.parallel_loop(0, _CHUNK // _L, 1, unroll=2)
            def row_body(j):
                colv = ids_v[b, pl.ds(j * _L, _L)]
                ids = (colv + 0.5).astype(jnp.int32)
                for c in range(TABLE_COLS):
                    v = plsc.load_gather(table_v, [ids + (c * NUM_VIEWS)])
                    col_v[b * 16 + c, pl.ds(j * _L, _L)] = v

            for cp in out_copies(ci, b):
                cp.start()
        return carry

    lax.fori_loop(0, _N_CHUNKS // 2, outer, 0)
    for b in range(2):
        for cp in out_copies(_N_CHUNKS - 2 + b, b):
            cp.wait()


def kernel(rays, color_embedding):
    mesh = plsc.VectorSubcoreMesh(
        core_axis_name="c", subcore_axis_name="s",
        num_cores=_NC, num_subcores=_NS)
    f = pl.kernel(
        _sc_body,
        out_type=(
            jax.ShapeDtypeStruct((9, N_RAYS), jnp.float32),
            jax.ShapeDtypeStruct((3, N_RAYS), jnp.float32),
        ),
        mesh=mesh,
        compiler_params=pltpu.CompilerParams(needs_layout_passes=False),
        scratch_types=[
            pltpu.VMEM((2, _CHUNK), jnp.float32),
            pltpu.VMEM((NUM_VIEWS * TABLE_COLS,), jnp.float32),
            pltpu.VMEM((2 * 16, _CHUNK), jnp.float32),
            pltpu.SemaphoreType.DMA,
            pltpu.SemaphoreType.DMA,
            pltpu.SemaphoreType.DMA,
            pltpu.SemaphoreType.DMA,
        ],
    )
    table_flat = color_embedding.T.reshape(NUM_VIEWS * TABLE_COLS)
    out9_t, out3_t = f(rays.T, table_flat)
    return out9_t.T, out3_t.T

# --- scband reference (transcript-rebuilt; emitter-appended) ---
"""Pipeline reference for scband-color-transform-embedding-88536455839922 (READ-ONLY COPY).

The authoritative reference and input builder live on the scoring server;
editing this copy changes nothing except your own understanding.
"""

import jax, jax.numpy as jnp
import numpy as np

NUM_VIEWS = 1000
N_RAYS = 1048576
RAY_DIM = 16


def setup_inputs(seed: int = 0) -> dict:
    key = jax.random.key(seed)
    k1, k2, k3 = jax.random.split(key, 3)
    rays = jax.random.normal(k1, (N_RAYS, RAY_DIM), dtype=jnp.float32)
    cam_ids = jax.random.randint(k2, (N_RAYS,), 0, NUM_VIEWS)
    # channel -2 encodes the camera id as a float, matching the torch module's convention
    rays = rays.at[:, -2].set(cam_ids.astype(jnp.float32))
    # learned per-view color embedding (torch inits to zeros; use small randn for a nontrivial reference)
    color_embedding = jax.random.normal(k3, (NUM_VIEWS, 12), dtype=jnp.float32) * 0.01
    return {"rays": rays, "color_embedding": color_embedding}


def reference(rays, color_embedding):
    # camera_ids = torch.round(x['rays'][..., -2]).long()
    camera_ids = jnp.round(rays[..., -2]).astype(jnp.int32)
    # color_transforms = self.color_embedding[camera_ids]
    color_transforms = jnp.take(color_embedding, camera_ids, axis=0)
    # transform_activation / shift_activation are 'identity' per cfg
    color_transform_global = color_transforms[..., :9]
    color_shift_global = color_transforms[..., -3:]
    return (color_transform_global, color_shift_global)

if __name__ == "__main__":
    import jax
    _d = setup_inputs()
    print(jax.jit(kernel)(*tuple(_d.values())))

</pallas_src>

<mosaic_0001>
#map = affine_map<(d0, d1) -> (0, 0)>
#map1 = affine_map<(d0, d1) -> (0)>
module attributes {stable_mosaic.version = 14 : i64} {
  func.func @_sc_body(%arg0: i32, %arg1: i32, %arg2: memref<16x1048576xf32, #tpu.memory_space<hbm>>, %arg3: memref<12000xf32, #tpu.memory_space<hbm>>, %arg4: memref<9x1048576xf32, #tpu.memory_space<hbm>>, %arg5: memref<3x1048576xf32, #tpu.memory_space<hbm>>, %arg6: memref<2x2048xf32, #tpu.memory_space<vmem>>, %arg7: memref<12000xf32, #tpu.memory_space<vmem>>, %arg8: memref<32x2048xf32, #tpu.memory_space<vmem>>, %arg9: memref<!tpu.dma_semaphore, #tpu.memory_space<semaphore_mem>>, %arg10: memref<!tpu.dma_semaphore, #tpu.memory_space<semaphore_mem>>, %arg11: memref<!tpu.dma_semaphore, #tpu.memory_space<semaphore_mem>>, %arg12: memref<!tpu.dma_semaphore, #tpu.memory_space<semaphore_mem>>) attributes {dimension_semantics = [#tpu.dimension_semantics<core_parallel>, #tpu.dimension_semantics<subcore_parallel>], iteration_bounds = array<i64: 2, 16>, scalar_prefetch = 0 : i64, scratch_operands = 7 : i64, tpu.core_type = #tpu.core_type<sc_vector_subcore>, window_params = [{transform_indices = #map}, {transform_indices = #map1}, {transform_indices = #map}, {transform_indices = #map}]} {
    %mul3A = arith.constant 2 : i32
    %mul3A_0 = arith.muli %arg1, %mul3A : i32
    %add3A = arith.addi %mul3A_0, %arg0 : i32
    %mul3A_1 = arith.constant 32768 : i32
    %mul3A_2 = arith.muli %add3A, %mul3A_1 : i32
    "tpu.region"() ({
      %run_scoped3A = tpu.sem_alloc : memref<!tpu.dma_semaphore, #tpu.memory_space<semaphore_mem>>
      tpu.enqueue_dma source(%arg3 : memref<12000xf32, #tpu.memory_space<hbm>>) target(%arg7 : memref<12000xf32, #tpu.memory_space<vmem>>) target_semaphore(%run_scoped3A : memref<!tpu.dma_semaphore, #tpu.memory_space<semaphore_mem>>)
      tpu.wait_dma2 semaphore(%run_scoped3A : memref<!tpu.dma_semaphore, #tpu.memory_space<semaphore_mem>>) src(%arg3 : memref<12000xf32, #tpu.memory_space<hbm>>) dst(%arg7 : memref<12000xf32, #tpu.memory_space<vmem>>)
      tpu.yield
    }) : () -> ()
    %add3A_3 = arith.constant 0 : i32
    %add3A_4 = arith.addi %mul3A_2, %add3A_3 : i32
    %dma_start3A = arith.constant 0 : i32
    %dma_start3A_5 = arith.constant 0 : i32
    %dma_start3A_6 = tpu.memref_slice %arg6[%dma_start3A, %dma_start3A_5] : memref<2x2048xf32, #tpu.memory_space<vmem>> -> memref<1x2048xf32, #tpu.memory_space<vmem>>
    %dma_start3A_7 = arith.constant 14 : i32
    %dma_start3A_8 = tpu.memref_slice %arg2[%dma_start3A_7, %add3A_4] : memref<16x1048576xf32, #tpu.memory_space<hbm>> -> memref<1x2048xf32, #tpu.memory_space<hbm>>
    %dma_start3A_9 = arith.constant 0 : i32
    %dma_start3A_10 = arith.constant 0 : i32
    %dma_start3A_11 = tpu.memref_slice %arg6[%dma_start3A_9, %dma_start3A_10] : memref<2x2048xf32, #tpu.memory_space<vmem>> -> memref<1x2048xf32, #tpu.memory_space<vmem>>
    %dma_start3A_12 = arith.constant 14 : i32
    %dma_start3A_13 = tpu.memref_slice %arg2[%dma_start3A_12, %add3A_4] : memref<16x1048576xf32, #tpu.memory_space<hbm>> -> memref<1x2048xf32, #tpu.memory_space<hbm>>
    tpu.enqueue_dma source(%dma_start3A_13 : memref<1x2048xf32, #tpu.memory_space<hbm>>) target(%dma_start3A_11 : memref<1x2048xf32, #tpu.memory_space<vmem>>) target_semaphore(%arg9 : memref<!tpu.dma_semaphore, #tpu.memory_space<semaphore_mem>>)
    %scan3A = arith.constant 0 : i32
    %scan3A_14 = arith.constant 0 : i32
    %scan3A_15 = arith.constant 8 : i32
    %scan3A_16 = arith.addi %scan3A_14, %scan3A_15 : i32
    %scan3A_17 = arith.constant 1 : i32
    scf.for %scan3A_122 = %scan3A_14 to %scan3A_16 step %scan3A_17  : i32 {
      %mul3A_123 = arith.constant 2 : i32
      %mul3A_124 = arith.muli %scan3A_122, %mul3A_123 : i32
      %add3A_125 = arith.constant 0 : i32
      %add3A_126 = arith.addi %mul3A_124, %add3A_125 : i32
      %add3A_127 = arith.constant 1 : i32
      %add3A_128 = arith.addi %add3A_126, %add3A_127 : i32
      %lt3A = arith.constant 16 : i32
      %lt3A_129 = arith.cmpi slt, %add3A_128, %lt3A : i32
      %convert_element_type3A = arith.extui %lt3A_129 : i1 to i32
      %cond3A = arith.constant 0 : i32
      %cond3A_130 = arith.cmpi ne, %convert_element_type3A, %cond3A : i32
      scf.if %cond3A_130 {
        %add3A_288 = arith.constant 1 : i32
        %add3A_289 = arith.addi %add3A_126, %add3A_288 : i32
        %mul3A_290 = arith.constant 2048 : i32
        %mul3A_291 = arith.muli %add3A_289, %mul3A_290 : i32
        %add3A_292 = arith.addi %mul3A_2, %mul3A_291 : i32
        %dma_start3A_293 = arith.constant 1 : i32
        %dma_start3A_294 = arith.constant 0 : i32
        %dma_start3A_295 = tpu.memref_slice %arg6[%dma_start3A_293, %dma_start3A_294] : memref<2x2048xf32, #tpu.memory_space<vmem>> -> memref<1x2048xf32, #tpu.memory_space<vmem>>
        %dma_start3A_296 = arith.constant 14 : i32
        %dma_start3A_297 = tpu.memref_slice %arg2[%dma_start3A_296, %add3A_292] : memref<16x1048576xf32, #tpu.memory_space<hbm>> -> memref<1x2048xf32, #tpu.memory_space<hbm>>
        %dma_start3A_298 = arith.constant 1 : i32
        %dma_start3A_299 = arith.constant 0 : i32
        %dma_start3A_300 = tpu.memref_slice %arg6[%dma_start3A_298, %dma_start3A_299] : memref<2x2048xf32, #tpu.memory_space<vmem>> -> memref<1x2048xf32, #tpu.memory_space<vmem>>
        %dma_start3A_301 = arith.constant 14 : i32
        %dma_start3A_302 = tpu.memref_slice %arg2[%dma_start3A_301, %add3A_292] : memref<16x1048576xf32, #tpu.memory_space<hbm>> -> memref<1x2048xf32, #tpu.memory_space<hbm>>
        tpu.enqueue_dma source(%dma_start3A_302 : memref<1x2048xf32, #tpu.memory_space<hbm>>) target(%dma_start3A_300 : memref<1x2048xf32, #tpu.memory_space<vmem>>) target_semaphore(%arg10 : memref<!tpu.dma_semaphore, #tpu.memory_space<semaphore_mem>>)
      } else {
      }
      %mul3A_131 = arith.constant 2048 : i32
      %mul3A_132 = arith.muli %add3A_126, %mul3A_131 : i32
      %add3A_133 = arith.addi %mul3A_2, %mul3A_132 : i32
      %dma_wait3A_134 = arith.constant 0 : i32
      %dma_wait3A_135 = arith.constant 0 : i32
      %dma_wait3A_136 = tpu.memref_slice %arg6[%dma_wait3A_134, %dma_wait3A_135] : memref<2x2048xf32, #tpu.memory_space<vmem>> -> memref<1x2048xf32, #tpu.memory_space<vmem>>
      %dma_wait3A_137 = arith.constant 14 : i32
      %dma_wait3A_138 = tpu.memref_slice %arg2[%dma_wait3A_137, %add3A_133] : memref<16x1048576xf32, #tpu.memory_space<hbm>> -> memref<1x2048xf32, #tpu.memory_space<hbm>>
      %dma_wait3A_139 = arith.constant 0 : i32
      %dma_wait3A_140 = arith.constant 0 : i32
      %dma_wait3A_141 = tpu.memref_slice %arg6[%dma_wait3A_139, %dma_wait3A_140] : memref<2x2048xf32, #tpu.memory_space<vmem>> -> memref<1x2048xf32, #tpu.memory_space<vmem>>
      %dma_wait3A_142 = arith.constant 14 : i32
      %dma_wait3A_143 = tpu.memref_slice %arg2[%dma_wait3A_142, %add3A_133] : memref<16x1048576xf32, #tpu.memory_space<hbm>> -> memref<1x2048xf32, #tpu.memory_space<hbm>>
      tpu.wait_dma2 semaphore(%arg9 : memref<!tpu.dma_semaphore, #tpu.memory_space<semaphore_mem>>) src(%dma_wait3A_143 : memref<1x2048xf32, #tpu.memory_space<hbm>>) dst(%dma_wait3A_141 : memref<1x2048xf32, #tpu.memory_space<vmem>>)
      %ge3A = arith.constant 1 : i32
      %ge3A_144 = arith.cmpi sge, %scan3A_122, %ge3A : i32
      %convert_element_type3A_145 = arith.extui %ge3A_144 : i1 to i32
      %cond3A_146 = arith.constant 0 : i32
      %cond3A_147 = arith.cmpi ne, %convert_element_type3A_145, %cond3A_146 : i32
      scf.if %cond3A_147 {
        %sub3A = arith.constant 2 : i32
        %sub3A_288 = arith.subi %add3A_126, %sub3A : i32
        %mul3A_289 = arith.constant 2048 : i32
        %mul3A_290 = arith.muli %sub3A_288, %mul3A_289 : i32
        %add3A_291 = arith.addi %mul3A_2, %mul3A_290 : i32
        %dma_wait3A_292 = arith.constant 0 : i32
        %dma_wait3A_293 = arith.constant 0 : i32
        %dma_wait3A_294 = tpu.memref_slice %arg8[%dma_wait3A_292, %dma_wait3A_293] : memref<32x2048xf32, #tpu.memory_space<vmem>> -> memref<8x2048xf32, #tpu.memory_space<vmem>>
        %dma_wait3A_295 = arith.constant 0 : i32
        %dma_wait3A_296 = tpu.memref_slice %arg4[%dma_wait3A_295, %add3A_291] : memref<9x1048576xf32, #tpu.memory_space<hbm>> -> memref<8x2048xf32, #tpu.memory_space<hbm>>
        %dma_wait3A_297 = arith.constant 0 : i32
        %dma_wait3A_298 = tpu.memref_slice %arg4[%dma_wait3A_297, %add3A_291] : memref<9x1048576xf32, #tpu.memory_space<hbm>> -> memref<8x2048xf32, #tpu.memory_space<hbm>>
        %dma_wait3A_299 = arith.constant 0 : i32
        %dma_wait3A_300 = arith.constant 0 : i32
        %dma_wait3A_301 = tpu.memref_slice %arg8[%dma_wait3A_299, %dma_wait3A_300] : memref<32x2048xf32, #tpu.memory_space<vmem>> -> memref<8x2048xf32, #tpu.memory_space<vmem>>
        tpu.wait_dma2 semaphore(%arg11 : memref<!tpu.dma_semaphore, #tpu.memory_space<semaphore_mem>>) src(%dma_wait3A_301 : memref<8x2048xf32, #tpu.memory_space<vmem>>) dst(%dma_wait3A_298 : memref<8x2048xf32, #tpu.memory_space<hbm>>)
        %dma_wait3A_302 = arith.constant 8 : i32
        %dma_wait3A_303 = arith.constant 0 : i32
        %dma_wait3A_304 = tpu.memref_slice %arg8[%dma_wait3A_302, %dma_wait3A_303] : memref<32x2048xf32, #tpu.memory_space<vmem>> -> memref<1x2048xf32, #tpu.memory_space<vmem>>
        %dma_wait3A_305 = arith.constant 8 : i32
        %dma_wait3A_306 = tpu.memref_slice %arg4[%dma_wait3A_305, %add3A_291] : memref<9x1048576xf32, #tpu.memory_space<hbm>> -> memref<1x2048xf32, #tpu.memory_space<hbm>>
        %dma_wait3A_307 = arith.constant 8 : i32
        %dma_wait3A_308 = tpu.memref_slice %arg4[%dma_wait3A_307, %add3A_291] : memref<9x1048576xf32, #tpu.memory_space<hbm>> -> memref<1x2048xf32, #tpu.memory_space<hbm>>
        %dma_wait3A_309 = arith.constant 8 : i32
        %dma_wait3A_310 = arith.constant 0 : i32
        %dma_wait3A_311 = tpu.memref_slice %arg8[%dma_wait3A_309, %dma_wait3A_310] : memref<32x2048xf32, #tpu.memory_space<vmem>> -> memref<1x2048xf32, #tpu.memory_space<vmem>>
        tpu.wait_dma2 semaphore(%arg11 : memref<!tpu.dma_semaphore, #tpu.memory_space<semaphore_mem>>) src(%dma_wait3A_311 : memref<1x2048xf32, #tpu.memory_space<vmem>>) dst(%dma_wait3A_308 : memref<1x2048xf32, #tpu.memory_space<hbm>>)
        %dma_wait3A_312 = arith.constant 9 : i32
        %dma_wait3A_313 = arith.constant 0 : i32
        %dma_wait3A_314 = tpu.memref_slice %arg8[%dma_wait3A_312, %dma_wait3A_313] : memref<32x2048xf32, #tpu.memory_space<vmem>> -> memref<1x2048xf32, #tpu.memory_space<vmem>>
        %dma_wait3A_315 = arith.constant 0 : i32
        %dma_wait3A_316 = tpu.memref_slice %arg5[%dma_wait3A_315, %add3A_291] : memref<3x1048576xf32, #tpu.memory_space<hbm>> -> memref<1x2048xf32, #tpu.memory_space<hbm>>
        %dma_wait3A_317 = arith.constant 0 : i32
        %dma_wait3A_318 = tpu.memref_slice %arg5[%dma_wait3A_317, %add3A_291] : memref<3x1048576xf32, #tpu.memory_space<hbm>> -> memref<1x2048xf32, #tpu.memory_space<hbm>>
        %dma_wait3A_319 = arith.constant 9 : i32
        %dma_wait3A_320 = arith.constant 0 : i32
        %dma_wait3A_321 = tpu.memref_slice %arg8[%dma_wait3A_319, %dma_wait3A_320] : memref<32x2048xf32, #tpu.memory_space<vmem>> -> memref<1x2048xf32, #tpu.memory_space<vmem>>
        tpu.wait_dma2 semaphore(%arg11 : memref<!tpu.dma_semaphore, #tpu.memory_space<semaphore_mem>>) src(%dma_wait3A_321 : memref<1x2048xf32, #tpu.memory_space<vmem>>) dst(%dma_wait3A_318 : memref<1x2048xf32, #tpu.memory_space<hbm>>)
        %dma_wait3A_322 = arith.constant 10 : i32
        %dma_wait3A_323 = arith.constant 0 : i32
        %dma_wait3A_324 = tpu.memref_slice %arg8[%dma_wait3A_322, %dma_wait3A_323] : memref<32x2048xf32, #tpu.memory_space<vmem>> -> memref<1x2048xf32, #tpu.memory_space<vmem>>
        %dma_wait3A_325 = arith.constant 1 : i32
        %dma_wait3A_326 = tpu.memref_slice %arg5[%dma_wait3A_325, %add3A_291] : memref<3x1048576xf32, #tpu.memory_space<hbm>> -> memref<1x2048xf32, #tpu.memory_space<hbm>>
        %dma_wait3A_327 = arith.constant 1 : i32
        %dma_wait3A_328 = tpu.memref_slice %arg5[%dma_wait3A_327, %add3A_291] : memref<3x1048576xf32, #tpu.memory_space<hbm>> -> memref<1x2048xf32, #tpu.memory_space<hbm>>
        %dma_wait3A_329 = arith.constant 10 : i32
        %dma_wait3A_330 = arith.constant 0 : i32
        %dma_wait3A_331 = tpu.memref_slice %arg8[%dma_wait3A_329, %dma_wait3A_330] : memref<32x2048xf32, #tpu.memory_space<vmem>> -> memref<1x2048xf32, #tpu.memory_space<vmem>>
        tpu.wait_dma2 semaphore(%arg11 : memref<!tpu.dma_semaphore, #tpu.memory_space<semaphore_mem>>) src(%dma_wait3A_331 : memref<1x2048xf32, #tpu.memory_space<vmem>>) dst(%dma_wait3A_328 : memref<1x2048xf32, #tpu.memory_space<hbm>>)
        %dma_wait3A_332 = arith.constant 11 : i32
        %dma_wait3A_333 = arith.constant 0 : i32
        %dma_wait3A_334 = tpu.memref_slice %arg8[%dma_wait3A_332, %dma_wait3A_333] : memref<32x2048xf32, #tpu.memory_space<vmem>> -> memref<1x2048xf32, #tpu.memory_space<vmem>>
        %dma_wait3A_335 = arith.constant 2 : i32
        %dma_wait3A_336 = tpu.memref_slice %arg5[%dma_wait3A_335, %add3A_291] : memref<3x1048576xf32, #tpu.memory_space<hbm>> -> memref<1x2048xf32, #tpu.memory_space<hbm>>
        %dma_wait3A_337 = arith.constant 2 : i32
        %dma_wait3A_338 = tpu.memref_slice %arg5[%dma_wait3A_337, %add3A_291] : memref<3x1048576xf32, #tpu.memory_space<hbm>> -> memref<1x2048xf32, #tpu.memory_space<hbm>>
        %dma_wait3A_339 = arith.constant 11 : i32
        %dma_wait3A_340 = arith.constant 0 : i32
        %dma_wait3A_341 = tpu.memref_slice %arg8[%dma_wait3A_339, %dma_wait3A_340] : memref<32x2048xf32, #tpu.memory_space<vmem>> -> memref<1x2048xf32, #tpu.memory_space<vmem>>
        tpu.wait_dma2 semaphore(%arg11 : memref<!tpu.dma_semaphore, #tpu.memory_space<semaphore_mem>>) src(%dma_wait3A_341 : memref<1x2048xf32, #tpu.memory_space<vmem>>) dst(%dma_wait3A_338 : memref<1x2048xf32, #tpu.memory_space<hbm>>)
      } else {
      }
      %parallel_loop3A = arith.constant 0 : i32
      %parallel_loop3A_148 = arith.constant 128 : i32
      %parallel_loop3A_149 = arith.constant 1 : i32
      scf.for %parallel_loop3A_288 = %parallel_loop3A to %parallel_loop3A_148 step %parallel_loop3A_149  : i32 {
        %parallel_loop3A_289 = arith.constant 16 : i32
        %parallel_loop3A_290 = arith.muli %parallel_loop3A_288, %parallel_loop3A_289 : i32
        %parallel_loop3A_291 = arith.constant 0 : i32
        %parallel_loop3A_292 = arith.index_cast %parallel_loop3A_291 : i32 to index
        %parallel_loop3A_293 = arith.index_cast %parallel_loop3A_290 : i32 to index
        %parallel_loop3A_294 = tpu.vector_load %arg6[%parallel_loop3A_292, %parallel_loop3A_293] {strides = array<i32>} : memref<2x2048xf32, #tpu.memory_space<vmem>>, vector<16xf32>,
        %parallel_loop3A_295 = arith.constant 5.000000e-01 : f32
        %parallel_loop3A_296 = vector.broadcast %parallel_loop3A_295 : f32 to vector<16xf32>
        %parallel_loop3A_297 = arith.addf %parallel_loop3A_294, %parallel_loop3A_296 : vector<16xf32>
        %parallel_loop3A_298 = arith.fptosi %parallel_loop3A_297 : vector<16xf32> to vector<16xi32>
        %parallel_loop3A_299 = arith.constant 0 : i32
        %parallel_loop3A_300 = vector.broadcast %parallel_loop3A_299 : i32 to vector<16xi32>
        %parallel_loop3A_301 = arith.addi %parallel_loop3A_298, %parallel_loop3A_300 : vector<16xi32>
        %parallel_loop3A_302 = tpu.vector_load_idx %arg7[%parallel_loop3A_301] : memref<12000xf32, #tpu.memory_space<vmem>>[vector<16xi32>], vector<16xf32>,
        %parallel_loop3A_303 = arith.constant 16 : i32
        %parallel_loop3A_304 = arith.muli %parallel_loop3A_288, %parallel_loop3A_303 : i32
        %parallel_loop3A_305 = arith.constant 0 : i32
        %parallel_loop3A_306 = arith.index_cast %parallel_loop3A_305 : i32 to index
        %parallel_loop3A_307 = arith.index_cast %parallel_loop3A_304 : i32 to index
        %parallel_loop3A_308 = tpu.vector_load %arg8[%parallel_loop3A_306, %parallel_loop3A_307] {strides = array<i32>} : memref<32x2048xf32, #tpu.memory_space<vmem>>, vector<16xf32>,
        tpu.vector_store %arg8[%parallel_loop3A_306, %parallel_loop3A_307], %parallel_loop3A_302 {strides = array<i32>} : memref<32x2048xf32, #tpu.memory_space<vmem>>, vector<16xf32>,
        %parallel_loop3A_309 = arith.constant 1000 : i32
        %parallel_loop3A_310 = vector.broadcast %parallel_loop3A_309 : i32 to vector<16xi32>
        %parallel_loop3A_311 = arith.addi %parallel_loop3A_298, %parallel_loop3A_310 : vector<16xi32>
        %parallel_loop3A_312 = tpu.vector_load_idx %arg7[%parallel_loop3A_311] : memref<12000xf32, #tpu.memory_space<vmem>>[vector<16xi32>], vector<16xf32>,
        %parallel_loop3A_313 = arith.constant 16 : i32
        %parallel_loop3A_314 = arith.muli %parallel_loop3A_288, %parallel_loop3A_313 : i32
        %parallel_loop3A_315 = arith.constant 1 : i32
        %parallel_loop3A_316 = arith.index_cast %parallel_loop3A_315 : i32 to index
        %parallel_loop3A_317 = arith.index_cast %parallel_loop3A_314 : i32 to index
        %parallel_loop3A_318 = tpu.vector_load %arg8[%parallel_loop3A_316, %parallel_loop3A_317] {strides = array<i32>} : memref<32x2048xf32, #tpu.memory_space<vmem>>, vector<16xf32>,
        tpu.vector_store %arg8[%parallel_loop3A_316, %parallel_loop3A_317], %parallel_loop3A_312 {strides = array<i32>} : memref<32x2048xf32, #tpu.memory_space<vmem>>, vector<16xf32>,
        %parallel_loop3A_319 = arith.constant 2000 : i32
        %parallel_loop3A_320 = vector.broadcast %parallel_loop3A_319 : i32 to vector<16xi32>
        %parallel_loop3A_321 = arith.addi %parallel_loop3A_298, %parallel_loop3A_320 : vector<16xi32>
        %parallel_loop3A_322 = tpu.vector_load_idx %arg7[%parallel_loop3A_321] : memref<12000xf32, #tpu.memory_space<vmem>>[vector<16xi32>], vector<16xf32>,
        %parallel_loop3A_323 = arith.constant 16 : i32
        %parallel_loop3A_324 = arith.muli %parallel_loop3A_288, %parallel_loop3A_323 : i32
        %parallel_loop3A_325 = arith.constant 2 : i32
        %parallel_loop3A_326 = arith.index_cast %parallel_loop3A_325 : i32 to index
        %parallel_loop3A_327 = arith.index_cast %parallel_loop3A_324 : i32 to index
        %parallel_loop3A_328 = tpu.vector_load %arg8[%parallel_loop3A_326, %parallel_loop3A_327] {strides = array<i32>} : memref<32x2048xf32, #tpu.memory_space<vmem>>, vector<16xf32>,
        tpu.vector_store %arg8[%parallel_loop3A_326, %parallel_loop3A_327], %parallel_loop3A_322 {strides = array<i32>} : memref<32x2048xf32, #tpu.memory_space<vmem>>, vector<16xf32>,
        %parallel_loop3A_329 = arith.constant 3000 : i32
        %parallel_loop3A_330 = vector.broadcast %parallel_loop3A_329 : i32 to vector<16xi32>
        %parallel_loop3A_331 = arith.addi %parallel_loop3A_298, %parallel_loop3A_330 : vector<16xi32>
        %parallel_loop3A_332 = tpu.vector_load_idx %arg7[%parallel_loop3A_331] : memref<12000xf32, #tpu.memory_space<vmem>>[vector<16xi32>], vector<16xf32>,
        %parallel_loop3A_333 = arith.constant 16 : i32
        %parallel_loop3A_334 = arith.muli %parallel_loop3A_288, %parallel_loop3A_333 : i32
        %parallel_loop3A_335 = arith.constant 3 : i32
        %parallel_loop3A_336 = arith.index_cast %parallel_loop3A_335 : i32 to index
        %parallel_loop3A_337 = arith.index_cast %parallel_loop3A_334 : i32 to index
        %parallel_loop3A_338 = tpu.vector_load %arg8[%parallel_loop3A_336, %parallel_loop3A_337] {strides = array<i32>} : memref<32x2048xf32, #tpu.memory_space<vmem>>, vector<16xf32>,
        tpu.vector_store %arg8[%parallel_loop3A_336, %parallel_loop3A_337], %parallel_loop3A_332 {strides = array<i32>} : memref<32x2048xf32, #tpu.memory_space<vmem>>, vector<16xf32>,
        %parallel_loop3A_339 = arith.constant 4000 : i32
        %parallel_loop3A_340 = vector.broadcast %parallel_loop3A_339 : i32 to vector<16xi32>
        %parallel_loop3A_341 = arith.addi %parallel_loop3A_298, %parallel_loop3A_340 : vector<16xi32>
        %parallel_loop3A_342 = tpu.vector_load_idx %arg7[%parallel_loop3A_341] : memref<12000xf32, #tpu.memory_space<vmem>>[vector<16xi32>], vector<16xf32>,
        %parallel_loop3A_343 = arith.constant 16 : i32
        %parallel_loop3A_344 = arith.muli %parallel_loop3A_288, %parallel_loop3A_343 : i32
        %parallel_loop3A_345 = arith.constant 4 : i32
        %parallel_loop3A_346 = arith.index_cast %parallel_loop3A_345 : i32 to index
        %parallel_loop3A_347 = arith.index_cast %parallel_loop3A_344 : i32 to index
        %parallel_loop3A_348 = tpu.vector_load %arg8[%parallel_loop3A_346, %parallel_loop3A_347] {strides = array<i32>} : memref<32x2048xf32, #tpu.memory_space<vmem>>, vector<16xf32>,
        tpu.vector_store %arg8[%parallel_loop3A_346, %parallel_loop3A_347], %parallel_loop3A_342 {strides = array<i32>} : memref<32x2048xf32, #tpu.memory_space<vmem>>, vector<16xf32>,
        %parallel_loop3A_349 = arith.constant 5000 : i32
        %parallel_loop3A_350 = vector.broadcast %parallel_loop3A_349 : i32 to vector<16xi32>
        %parallel_loop3A_351 = arith.addi %parallel_loop3A_298, %parallel_loop3A_350 : vector<16xi32>
        %parallel_loop3A_352 = tpu.vector_load_idx %arg7[%parallel_loop3A_351] : memref<12000xf32, #tpu.memory_space<vmem>>[vector<16xi32>], vector<16xf32>,
        %parallel_loop3A_353 = arith.constant 16 : i32
        %parallel_loop3A_354 = arith.muli %parallel_loop3A_288, %parallel_loop3A_353 : i32
        %parallel_loop3A_355 = arith.constant 5 : i32
        %parallel_loop3A_356 = arith.index_cast %parallel_loop3A_355 : i32 to index
        %parallel_loop3A_357 = arith.index_cast %parallel_loop3A_354 : i32 to index
        %parallel_loop3A_358 = tpu.vector_load %arg8[%parallel_loop3A_356, %parallel_loop3A_357] {strides = array<i32>} : memref<32x2048xf32, #tpu.memory_space<vmem>>, vector<16xf32>,
        tpu.vector_store %arg8[%parallel_loop3A_356, %parallel_loop3A_357], %parallel_loop3A_352 {strides = array<i32>} : memref<32x2048xf32, #tpu.memory_space<vmem>>, vector<16xf32>,
        %parallel_loop3A_359 = arith.constant 6000 : i32
        %parallel_loop3A_360 = vector.broadcast %parallel_loop3A_359 : i32 to vector<16xi32>
        %parallel_loop3A_361 = arith.addi %parallel_loop3A_298, %parallel_loop3A_360 : vector<16xi32>
        %parallel_loop3A_362 = tpu.vector_load_idx %arg7[%parallel_loop3A_361] : memref<12000xf32, #tpu.memory_space<vmem>>[vector<16xi32>], vector<16xf32>,
        %parallel_loop3A_363 = arith.constant 16 : i32
        %parallel_loop3A_364 = arith.muli %parallel_loop3A_288, %parallel_loop3A_363 : i32
        %parallel_loop3A_365 = arith.constant 6 : i32
        %parallel_loop3A_366 = arith.index_cast %parallel_loop3A_365 : i32 to index
        %parallel_loop3A_367 = arith.index_cast %parallel_loop3A_364 : i32 to index
        %parallel_loop3A_368 = tpu.vector_load %arg8[%parallel_loop3A_366, %parallel_loop3A_367] {strides = array<i32>} : memref<32x2048xf32, #tpu.memory_space<vmem>>, vector<16xf32>,
        tpu.vector_store %arg8[%parallel_loop3A_366, %parallel_loop3A_367], %parallel_loop3A_362 {strides = array<i32>} : memref<32x2048xf32, #tpu.memory_space<vmem>>, vector<16xf32>,
        %parallel_loop3A_369 = arith.constant 7000 : i32
        %parallel_loop3A_370 = vector.broadcast %parallel_loop3A_369 : i32 to vector<16xi32>
        %parallel_loop3A_371 = arith.addi %parallel_loop3A_298, %parallel_loop3A_370 : vector<16xi32>
        %parallel_loop3A_372 = tpu.vector_load_idx %arg7[%parallel_loop3A_371] : memref<12000xf32, #tpu.memory_space<vmem>>[vector<16xi32>], vector<16xf32>,
        %parallel_loop3A_373 = arith.constant 16 : i32
        %parallel_loop3A_374 = arith.muli %parallel_loop3A_288, %parallel_loop3A_373 : i32
        %parallel_loop3A_375 = arith.constant 7 : i32
        %parallel_loop3A_376 = arith.index_cast %parallel_loop3A_375 : i32 to index
        %parallel_loop3A_377 = arith.index_cast %parallel_loop3A_374 : i32 to index
        %parallel_loop3A_378 = tpu.vector_load %arg8[%parallel_loop3A_376, %parallel_loop3A_377] {strides = array<i32>} : memref<32x2048xf32, #tpu.memory_space<vmem>>, vector<16xf32>,
        tpu.vector_store %arg8[%parallel_loop3A_376, %parallel_loop3A_377], %parallel_loop3A_372 {strides = array<i32>} : memref<32x2048xf32, #tpu.memory_space<vmem>>, vector<16xf32>,
        %parallel_loop3A_379 = arith.constant 8000 : i32
        %parallel_loop3A_380 = vector.broadcast %parallel_loop3A_379 : i32 to vector<16xi32>
        %parallel_loop3A_381 = arith.addi %parallel_loop3A_298, %parallel_loop3A_380 : vector<16xi32>
        %parallel_loop3A_382 = tpu.vector_load_idx %arg7[%parallel_loop3A_381] : memref<12000xf32, #tpu.memory_space<vmem>>[vector<16xi32>], vector<16xf32>,
        %parallel_loop3A_383 = arith.constant 16 : i32
        %parallel_loop3A_384 = arith.muli %parallel_loop3A_288, %parallel_loop3A_383 : i32
        %parallel_loop3A_385 = arith.constant 8 : i32
        %parallel_loop3A_386 = arith.index_cast %parallel_loop3A_385 : i32 to index
        %parallel_loop3A_387 = arith.index_cast %parallel_loop3A_384 : i32 to index
        %parallel_loop3A_388 = tpu.vector_load %arg8[%parallel_loop3A_386, %parallel_loop3A_387] {strides = array<i32>} : memref<32x2048xf32, #tpu.memory_space<vmem>>, vector<16xf32>,
        tpu.vector_store %arg8[%parallel_loop3A_386, %parallel_loop3A_387], %parallel_loop3A_382 {strides = array<i32>} : memref<32x2048xf32, #tpu.memory_space<vmem>>, vector<16xf32>,
        %parallel_loop3A_389 = arith.constant 9000 : i32
        %parallel_loop3A_390 = vector.broadcast %parallel_loop3A_389 : i32 to vector<16xi32>
        %parallel_loop3A_391 = arith.addi %parallel_loop3A_298, %parallel_loop3A_390 : vector<16xi32>
        %parallel_loop3A_392 = tpu.vector_load_idx %arg7[%parallel_loop3A_391] : memref<12000xf32, #tpu.memory_space<vmem>>[vector<16xi32>], vector<16xf32>,
        %parallel_loop3A_393 = arith.constant 16 : i32
        %parallel_loop3A_394 = arith.muli %parallel_loop3A_288, %parallel_loop3A_393 : i32
        %parallel_loop3A_395 = arith.constant 9 : i32
        %parallel_loop3A_396 = arith.index_cast %parallel_loop3A_395 : i32 to index
        %parallel_loop3A_397 = arith.index_cast %parallel_loop3A_394 : i32 to index
        %parallel_loop3A_398 = tpu.vector_load %arg8[%parallel_loop3A_396, %parallel_loop3A_397] {strides = array<i32>} : memref<32x2048xf32, #tpu.memory_space<vmem>>, vector<16xf32>,
        tpu.vector_store %arg8[%parallel_loop3A_396, %parallel_loop3A_397], %parallel_loop3A_392 {strides = array<i32>} : memref<32x2048xf32, #tpu.memory_space<vmem>>, vector<16xf32>,
        %parallel_loop3A_399 = arith.constant 10000 : i32
        %parallel_loop3A_400 = vector.broadcast %parallel_loop3A_399 : i32 to vector<16xi32>
        %parallel_loop3A_401 = arith.addi %parallel_loop3A_298, %parallel_loop3A_400 : vector<16xi32>
        %parallel_loop3A_402 = tpu.vector_load_idx %arg7[%parallel_loop3A_401] : memref<12000xf32, #tpu.memory_space<vmem>>[vector<16xi32>], vector<16xf32>,
        %parallel_loop3A_403 = arith.constant 16 : i32
        %parallel_loop3A_404 = arith.muli %parallel_loop3A_288, %parallel_loop3A_403 : i32
        %parallel_loop3A_405 = arith.constant 10 : i32
        %parallel_loop3A_406 = arith.index_cast %parallel_loop3A_405 : i32 to index
        %parallel_loop3A_407 = arith.index_cast %parallel_loop3A_404 : i32 to index
        %parallel_loop3A_408 = tpu.vector_load %arg8[%parallel_loop3A_406, %parallel_loop3A_407] {strides = array<i32>} : memref<32x2048xf32, #tpu.memory_space<vmem>>, vector<16xf32>,
        tpu.vector_store %arg8[%parallel_loop3A_406, %parallel_loop3A_407], %parallel_loop3A_402 {strides = array<i32>} : memref<32x2048xf32, #tpu.memory_space<vmem>>, vector<16xf32>,
        %parallel_loop3A_409 = arith.constant 11000 : i32
        %parallel_loop3A_410 = vector.broadcast %parallel_loop3A_409 : i32 to vector<16xi32>
        %parallel_loop3A_411 = arith.addi %parallel_loop3A_298, %parallel_loop3A_410 : vector<16xi32>
        %parallel_loop3A_412 = tpu.vector_load_idx %arg7[%parallel_loop3A_411] : memref<12000xf32, #tpu.memory_space<vmem>>[vector<16xi32>], vector<16xf32>,
        %parallel_loop3A_413 = arith.constant 16 : i32
        %parallel_loop3A_414 = arith.muli %parallel_loop3A_288, %parallel_loop3A_413 : i32
        %parallel_loop3A_415 = arith.constant 11 : i32
        %parallel_loop3A_416 = arith.index_cast %parallel_loop3A_415 : i32 to index
        %parallel_loop3A_417 = arith.index_cast %parallel_loop3A_414 : i32 to index
        %parallel_loop3A_418 = tpu.vector_load %arg8[%parallel_loop3A_416, %parallel_loop3A_417] {strides = array<i32>} : memref<32x2048xf32, #tpu.memory_space<vmem>>, vector<16xf32>,
        tpu.vector_store %arg8[%parallel_loop3A_416, %parallel_loop3A_417], %parallel_loop3A_412 {strides = array<i32>} : memref<32x2048xf32, #tpu.memory_space<vmem>>, vector<16xf32>,
      } {sc.loop_unroll_factor = 2 : i64, sc.parallel_access}
      %mul3A_150 = arith.constant 2048 : i32
      %mul3A_151 = arith.muli %add3A_126, %mul3A_150 : i32
      %add3A_152 = arith.addi %mul3A_2, %mul3A_151 : i32
      %dma_start3A_153 = arith.constant 0 : i32
      %dma_start3A_154 = arith.constant 0 : i32
      %dma_start3A_155 = tpu.memref_slice %arg8[%dma_start3A_153, %dma_start3A_154] : memref<32x2048xf32, #tpu.memory_space<vmem>> -> memref<8x2048xf32, #tpu.memory_space<vmem>>
      %dma_start3A_156 = arith.constant 0 : i32
      %dma_start3A_157 = tpu.memref_slice %arg4[%dma_start3A_156, %add3A_152] : memref<9x1048576xf32, #tpu.memory_space<hbm>> -> memref<8x2048xf32, #tpu.memory_space<hbm>>
      %dma_start3A_158 = arith.constant 0 : i32
      %dma_start3A_159 = tpu.memref_slice %arg4[%dma_start3A_158, %add3A_152] : memref<9x1048576xf32, #tpu.memory_space<hbm>> -> memref<8x2048xf32, #tpu.memory_space<hbm>>
      %dma_start3A_160 = arith.constant 0 : i32
      %dma_start3A_161 = arith.constant 0 : i32
      %dma_start3A_162 = tpu.memref_slice %arg8[%dma_start3A_160, %dma_start3A_161] : memref<32x2048xf32, #tpu.memory_space<vmem>> -> memref<8x2048xf32, #tpu.memory_space<vmem>>
      tpu.enqueue_dma source(%dma_start3A_162 : memref<8x2048xf32, #tpu.memory_space<vmem>>) target(%dma_start3A_159 : memref<8x2048xf32, #tpu.memory_space<hbm>>) target_semaphore(%arg11 : memref<!tpu.dma_semaphore, #tpu.memory_space<semaphore_mem>>)
      %dma_start3A_163 = arith.constant 8 : i32
      %dma_start3A_164 = arith.constant 0 : i32
      %dma_start3A_165 = tpu.memref_slice %arg8[%dma_start3A_163, %dma_start3A_164] : memref<32x2048xf32, #tpu.memory_space<vmem>> -> memref<1x2048xf32, #tpu.memory_space<vmem>>
      %dma_start3A_166 = arith.constant 8 : i32
      %dma_start3A_167 = tpu.memref_slice %arg4[%dma_start3A_166, %add3A_152] : memref<9x1048576xf32, #tpu.memory_space<hbm>> -> memref<1x2048xf32, #tpu.memory_space<hbm>>
      %dma_start3A_168 = arith.constant 8 : i32
      %dma_start3A_169 = tpu.memref_slice %arg4[%dma_start3A_168, %add3A_152] : memref<9x1048576xf32, #tpu.memory_space<hbm>> -> memref<1x2048xf32, #tpu.memory_space<hbm>>
      %dma_start3A_170 = arith.constant 8 : i32
      %dma_start3A_171 = arith.constant 0 : i32
      %dma_start3A_172 = tpu.memref_slice %arg8[%dma_start3A_170, %dma_start3A_171] : memref<32x2048xf32, #tpu.memory_space<vmem>> -> memref<1x2048xf32, #tpu.memory_space<vmem>>
      tpu.enqueue_dma source(%dma_start3A_172 : memref<1x2048xf32, #tpu.memory_space<vmem>>) target(%dma_start3A_169 : memref<1x2048xf32, #tpu.memory_space<hbm>>) target_semaphore(%arg11 : memref<!tpu.dma_semaphore, #tpu.memory_space<semaphore_mem>>)
      %dma_start3A_173 = arith.constant 9 : i32
      %dma_start3A_174 = arith.constant 0 : i32
      %dma_start3A_175 = tpu.memref_slice %arg8[%dma_start3A_173, %dma_start3A_174] : memref<32x2048xf32, #tpu.memory_space<vmem>> -> memref<1x2048xf32, #tpu.memory_space<vmem>>
      %dma_start3A_176 = arith.constant 0 : i32
      %dma_start3A_177 = tpu.memref_slice %arg5[%dma_start3A_176, %add3A_152] : memref<3x1048576xf32, #tpu.memory_space<hbm>> -> memref<1x2048xf32, #tpu.memory_space<hbm>>
      %dma_start3A_178 = arith.constant 0 : i32
      %dma_start3A_179 = tpu.memref_slice %arg5[%dma_start3A_178, %add3A_152] : memref<3x1048576xf32, #tpu.memory_space<hbm>> -> memref<1x2048xf32, #tpu.memory_space<hbm>>
      %dma_start3A_180 = arith.constant 9 : i32
      %dma_start3A_181 = arith.constant 0 : i32
      %dma_start3A_182 = tpu.memref_slice %arg8[%dma_start3A_180, %dma_start3A_181] : memref<32x2048xf32, #tpu.memory_space<vmem>> -> memref<1x2048xf32, #tpu.memory_space<vmem>>
      tpu.enqueue_dma source(%dma_start3A_182 : memref<1x2048xf32, #tpu.memory_space<vmem>>) target(%dma_start3A_179 : memref<1x2048xf32, #tpu.memory_space<hbm>>) target_semaphore(%arg11 : memref<!tpu.dma_semaphore, #tpu.memory_space<semaphore_mem>>)
      %dma_start3A_183 = arith.constant 10 : i32
      %dma_start3A_184 = arith.constant 0 : i32
      %dma_start3A_185 = tpu.memref_slice %arg8[%dma_start3A_183, %dma_start3A_184] : memref<32x2048xf32, #tpu.memory_space<vmem>> -> memref<1x2048xf32, #tpu.memory_space<vmem>>
      %dma_start3A_186 = arith.constant 1 : i32
      %dma_start3A_187 = tpu.memref_slice %arg5[%dma_start3A_186, %add3A_152] : memref<3x1048576xf32, #tpu.memory_space<hbm>> -> memref<1x2048xf32, #tpu.memory_space<hbm>>
      %dma_start3A_188 = arith.constant 1 : i32
      %dma_start3A_189 = tpu.memref_slice %arg5[%dma_start3A_188, %add3A_152] : memref<3x1048576xf32, #tpu.memory_space<hbm>> -> memref<1x2048xf32, #tpu.memory_space<hbm>>
      %dma_start3A_190 = arith.constant 10 : i32
      %dma_start3A_191 = arith.constant 0 : i32
      %dma_start3A_192 = tpu.memref_slice %arg8[%dma_start3A_190, %dma_start3A_191] : memref<32x2048xf32, #tpu.memory_space<vmem>> -> memref<1x2048xf32, #tpu.memory_space<vmem>>
      tpu.enqueue_dma source(%dma_start3A_192 : memref<1x2048xf32, #tpu.memory_space<vmem>>) target(%dma_start3A_189 : memref<1x2048xf32, #tpu.memory_space<hbm>>) target_semaphore(%arg11 : memref<!tpu.dma_semaphore, #tpu.memory_space<semaphore_mem>>)
      %dma_start3A_193 = arith.constant 11 : i32
      %dma_start3A_194 = arith.constant 0 : i32
      %dma_start3A_195 = tpu.memref_slice %arg8[%dma_start3A_193, %dma_start3A_194] : memref<32x2048xf32, #tpu.memory_space<vmem>> -> memref<1x2048xf32, #tpu.memory_space<vmem>>
      %dma_start3A_196 = arith.constant 2 : i32
      %dma_start3A_197 = tpu.memref_slice %arg5[%dma_start3A_196, %add3A_152] : memref<3x1048576xf32, #tpu.memory_space<hbm>> -> memref<1x2048xf32, #tpu.memory_space<hbm>>
      %dma_start3A_198 = arith.constant 2 : i32
      %dma_start3A_199 = tpu.memref_slice %arg5[%dma_start3A_198, %add3A_152] : memref<3x1048576xf32, #tpu.memory_space<hbm>> -> memref<1x2048xf32, #tpu.memory_space<hbm>>
      %dma_start3A_200 = arith.constant 11 : i32
      %dma_start3A_201 = arith.constant 0 : i32
      %dma_start3A_202 = tpu.memref_slice %arg8[%dma_start3A_200, %dma_start3A_201] : memref<32x2048xf32, #tpu.memory_space<vmem>> -> memref<1x2048xf32, #tpu.memory_space<vmem>>
      tpu.enqueue_dma source(%dma_start3A_202 : memref<1x2048xf32, #tpu.memory_space<vmem>>) target(%dma_start3A_199 : memref<1x2048xf32, #tpu.memory_space<hbm>>) target_semaphore(%arg11 : memref<!tpu.dma_semaphore, #tpu.memory_space<semaphore_mem>>)
      %mul3A_203 = arith.constant 2 : i32
      %mul3A_204 = arith.muli %scan3A_122, %mul3A_203 : i32
      %add3A_205 = arith.constant 1 : i32
      %add3A_206 = arith.addi %mul3A_204, %add3A_205 : i32
      %add3A_207 = arith.constant 1 : i32
      %add3A_208 = arith.addi %add3A_206, %add3A_207 : i32
      %lt3A_209 = arith.constant 16 : i32
      %lt3A_210 = arith.cmpi slt, %add3A_208, %lt3A_209 : i32
      %convert_element_type3A_211 = arith.extui %lt3A_210 : i1 to i32
      %cond3A_212 = arith.constant 0 : i32
      %cond3A_213 = arith.cmpi ne, %convert_element_type3A_211, %cond3A_212 : i32
      scf.if %cond3A_213 {
        %add3A_288 = arith.constant 1 : i32
        %add3A_289 = arith.addi %add3A_206, %add3A_288 : i32
        %mul3A_290 = arith.constant 2048 : i32
        %mul3A_291 = arith.muli %add3A_289, %mul3A_290 : i32
        %add3A_292 = arith.addi %mul3A_2, %mul3A_291 : i32
        %dma_start3A_293 = arith.constant 0 : i32
        %dma_start3A_294 = arith.constant 0 : i32
        %dma_start3A_295 = tpu.memref_slice %arg6[%dma_start3A_293, %dma_start3A_294] : memref<2x2048xf32, #tpu.memory_space<vmem>> -> memref<1x2048xf32, #tpu.memory_space<vmem>>
        %dma_start3A_296 = arith.constant 14 : i32
        %dma_start3A_297 = tpu.memref_slice %arg2[%dma_start3A_296, %add3A_292] : memref<16x1048576xf32, #tpu.memory_space<hbm>> -> memref<1x2048xf32, #tpu.memory_space<hbm>>
        %dma_start3A_298 = arith.constant 0 : i32
        %dma_start3A_299 = arith.constant 0 : i32
        %dma_start3A_300 = tpu.memref_slice %arg6[%dma_start3A_298, %dma_start3A_299] : memref<2x2048xf32, #tpu.memory_space<vmem>> -> memref<1x2048xf32, #tpu.memory_space<vmem>>
        %dma_start3A_301 = arith.constant 14 : i32
        %dma_start3A_302 = tpu.memref_slice %arg2[%dma_start3A_301, %add3A_292] : memref<16x1048576xf32, #tpu.memory_space<hbm>> -> memref<1x2048xf32, #tpu.memory_space<hbm>>
        tpu.enqueue_dma source(%dma_start3A_302 : memref<1x2048xf32, #tpu.memory_space<hbm>>) target(%dma_start3A_300 : memref<1x2048xf32, #tpu.memory_space<vmem>>) target_semaphore(%arg9 : memref<!tpu.dma_semaphore, #tpu.memory_space<semaphore_mem>>)
      } else {
      }
      %mul3A_214 = arith.constant 2048 : i32
      %mul3A_215 = arith.muli %add3A_206, %mul3A_214 : i32
      %add3A_216 = arith.addi %mul3A_2, %mul3A_215 : i32
      %dma_wait3A_217 = arith.constant 1 : i32
      %dma_wait3A_218 = arith.constant 0 : i32
      %dma_wait3A_219 = tpu.memref_slice %arg6[%dma_wait3A_217, %dma_wait3A_218] : memref<2x2048xf32, #tpu.memory_space<vmem>> -> memref<1x2048xf32, #tpu.memory_space<vmem>>
      %dma_wait3A_220 = arith.constant 14 : i32
      %dma_wait3A_221 = tpu.memref_slice %arg2[%dma_wait3A_220, %add3A_216] : memref<16x1048576xf32, #tpu.memory_space<hbm>> -> memref<1x2048xf32, #tpu.memory_space<hbm>>
      %dma_wait3A_222 = arith.constant 1 : i32
      %dma_wait3A_223 = arith.constant 0 : i32
      %dma_wait3A_224 = tpu.memref_slice %arg6[%dma_wait3A_222, %dma_wait3A_223] : memref<2x2048xf32, #tpu.memory_space<vmem>> -> memref<1x2048xf32, #tpu.memory_space<vmem>>
      %dma_wait3A_225 = arith.constant 14 : i32
      %dma_wait3A_226 = tpu.memref_slice %arg2[%dma_wait3A_225, %add3A_216] : memref<16x1048576xf32, #tpu.memory_space<hbm>> -> memref<1x2048xf32, #tpu.memory_space<hbm>>
      tpu.wait_dma2 semaphore(%arg10 : memref<!tpu.dma_semaphore, #tpu.memory_space<semaphore_mem>>) src(%dma_wait3A_226 : memref<1x2048xf32, #tpu.memory_space<hbm>>) dst(%dma_wait3A_224 : memref<1x2048xf32, #tpu.memory_space<vmem>>)
      %ge3A_227 = arith.constant 1 : i32
      %ge3A_228 = arith.cmpi sge, %scan3A_122, %ge3A_227 : i32
      %convert_element_type3A_229 = arith.extui %ge3A_228 : i1 to i32
      %cond3A_230 = arith.constant 0 : i32
      %cond3A_231 = arith.cmpi ne, %convert_element_type3A_229, %cond3A_230 : i32
      scf.if %cond3A_231 {
        %sub3A = arith.constant 2 : i32
        %sub3A_288 = arith.subi %add3A_206, %sub3A : i32
        %mul3A_289 = arith.constant 2048 : i32
        %mul3A_290 = arith.muli %sub3A_288, %mul3A_289 : i32
        %add3A_291 = arith.addi %mul3A_2, %mul3A_290 : i32
        %dma_wait3A_292 = arith.constant 16 : i32
        %dma_wait3A_293 = arith.constant 0 : i32
        %dma_wait3A_294 = tpu.memref_slice %arg8[%dma_wait3A_292, %dma_wait3A_293] : memref<32x2048xf32, #tpu.memory_space<vmem>> -> memref<8x2048xf32, #tpu.memory_space<vmem>>
        %dma_wait3A_295 = arith.constant 0 : i32
        %dma_wait3A_296 = tpu.memref_slice %arg4[%dma_wait3A_295, %add3A_291] : memref<9x1048576xf32, #tpu.memory_space<hbm>> -> memref<8x2048xf32, #tpu.memory_space<hbm>>
        %dma_wait3A_297 = arith.constant 0 : i32
        %dma_wait3A_298 = tpu.memref_slice %arg4[%dma_wait3A_297, %add3A_291] : memref<9x1048576xf32, #tpu.memory_space<hbm>> -> memref<8x2048xf32, #tpu.memory_space<hbm>>
        %dma_wait3A_299 = arith.constant 16 : i32
        %dma_wait3A_300 = arith.constant 0 : i32
        %dma_wait3A_301 = tpu.memref_slice %arg8[%dma_wait3A_299, %dma_wait3A_300] : memref<32x2048xf32, #tpu.memory_space<vmem>> -> memref<8x2048xf32, #tpu.memory_space<vmem>>
        tpu.wait_dma2 semaphore(%arg12 : memref<!tpu.dma_semaphore, #tpu.memory_space<semaphore_mem>>) src(%dma_wait3A_301 : memref<8x2048xf32, #tpu.memory_space<vmem>>) dst(%dma_wait3A_298 : memref<8x2048xf32, #tpu.memory_space<hbm>>)
        %dma_wait3A_302 = arith.constant 24 : i32
        %dma_wait3A_303 = arith.constant 0 : i32
        %dma_wait3A_304 = tpu.memref_slice %arg8[%dma_wait3A_302, %dma_wait3A_303] : memref<32x2048xf32, #tpu.memory_space<vmem>> -> memref<1x2048xf32, #tpu.memory_space<vmem>>
        %dma_wait3A_305 = arith.constant 8 : i32
        %dma_wait3A_306 = tpu.memref_slice %arg4[%dma_wait3A_305, %add3A_291] : memref<9x1048576xf32, #tpu.memory_space<hbm>> -> memref<1x2048xf32, #tpu.memory_space<hbm>>
        %dma_wait3A_307 = arith.constant 8 : i32
        %dma_wait3A_308 = tpu.memref_slice %arg4[%dma_wait3A_307, %add3A_291] : memref<9x1048576xf32, #tpu.memory_space<hbm>> -> memref<1x2048xf32, #tpu.memory_space<hbm>>
        %dma_wait3A_309 = arith.constant 24 : i32
        %dma_wait3A_310 = arith.constant 0 : i32
        %dma_wait3A_311 = tpu.memref_slice %arg8[%dma_wait3A_309, %dma_wait3A_310] : memref<32x2048xf32, #tpu.memory_space<vmem>> -> memref<1x2048xf32, #tpu.memory_space<vmem>>
        tpu.wait_dma2 semaphore(%arg12 : memref<!tpu.dma_semaphore, #tpu.memory_space<semaphore_mem>>) src(%dma_wait3A_311 : memref<1x2048xf32, #tpu.memory_space<vmem>>) dst(%dma_wait3A_308 : memref<1x2048xf32, #tpu.memory_space<hbm>>)
        %dma_wait3A_312 = arith.constant 25 : i32
        %dma_wait3A_313 = arith.constant 0 : i32
        %dma_wait3A_314 = tpu.memref_slice %arg8[%dma_wait3A_312, %dma_wait3A_313] : memref<32x2048xf32, #tpu.memory_space<vmem>> -> memref<1x2048xf32, #tpu.memory_space<vmem>>
        %dma_wait3A_315 = arith.constant 0 : i32
        %dma_wait3A_316 = tpu.memref_slice %arg5[%dma_wait3A_315, %add3A_291] : memref<3x1048576xf32, #tpu.memory_space<hbm>> -> memref<1x2048xf32, #tpu.memory_space<hbm>>
        %dma_wait3A_317 = arith.constant 0 : i32
        %dma_wait3A_318 = tpu.memref_slice %arg5[%dma_wait3A_317, %add3A_291] : memref<3x1048576xf32, #tpu.memory_space<hbm>> -> memref<1x2048xf32, #tpu.memory_space<hbm>>
        %dma_wait3A_319 = arith.constant 25 : i32
        %dma_wait3A_320 = arith.constant 0 : i32
        %dma_wait3A_321 = tpu.memref_slice %arg8[%dma_wait3A_319, %dma_wait3A_320] : memref<32x2048xf32, #tpu.memory_space<vmem>> -> memref<1x2048xf32, #tpu.memory_space<vmem>>
        tpu.wait_dma2 semaphore(%arg12 : memref<!tpu.dma_semaphore, #tpu.memory_space<semaphore_mem>>) src(%dma_wait3A_321 : memref<1x2048xf32, #tpu.memory_space<vmem>>) dst(%dma_wait3A_318 : memref<1x2048xf32, #tpu.memory_space<hbm>>)
        %dma_wait3A_322 = arith.constant 26 : i32
        %dma_wait3A_323 = arith.constant 0 : i32
        %dma_wait3A_324 = tpu.memref_slice %arg8[%dma_wait3A_322, %dma_wait3A_323] : memref<32x2048xf32, #tpu.memory_space<vmem>> -> memref<1x2048xf32, #tpu.memory_space<vmem>>
        %dma_wait3A_325 = arith.constant 1 : i32
        %dma_wait3A_326 = tpu.memref_slice %arg5[%dma_wait3A_325, %add3A_291] : memref<3x1048576xf32, #tpu.memory_space<hbm>> -> memref<1x2048xf32, #tpu.memory_space<hbm>>
        %dma_wait3A_327 = arith.constant 1 : i32
        %dma_wait3A_328 = tpu.memref_slice %arg5[%dma_wait3A_327, %add3A_291] : memref<3x1048576xf32, #tpu.memory_space<hbm>> -> memref<1x2048xf32, #tpu.memory_space<hbm>>
        %dma_wait3A_329 = arith.constant 26 : i32
        %dma_wait3A_330 = arith.constant 0 : i32
        %dma_wait3A_331 = tpu.memref_slice %arg8[%dma_wait3A_329, %dma_wait3A_330] : memref<32x2048xf32, #tpu.memory_space<vmem>> -> memref<1x2048xf32, #tpu.memory_space<vmem>>
        tpu.wait_dma2 semaphore(%arg12 : memref<!tpu.dma_semaphore, #tpu.memory_space<semaphore_mem>>) src(%dma_wait3A_331 : memref<1x2048xf32, #tpu.memory_space<vmem>>) dst(%dma_wait3A_328 : memref<1x2048xf32, #tpu.memory_space<hbm>>)
        %dma_wait3A_332 = arith.constant 27 : i32
        %dma_wait3A_333 = arith.constant 0 : i32
        %dma_wait3A_334 = tpu.memref_slice %arg8[%dma_wait3A_332, %dma_wait3A_333] : memref<32x2048xf32, #tpu.memory_space<vmem>> -> memref<1x2048xf32, #tpu.memory_space<vmem>>
        %dma_wait3A_335 = arith.constant 2 : i32
        %dma_wait3A_336 = tpu.memref_slice %arg5[%dma_wait3A_335, %add3A_291] : memref<3x1048576xf32, #tpu.memory_space<hbm>> -> memref<1x2048xf32, #tpu.memory_space<hbm>>
        %dma_wait3A_337 = arith.constant 2 : i32
        %dma_wait3A_338 = tpu.memref_slice %arg5[%dma_wait3A_337, %add3A_291] : memref<3x1048576xf32, #tpu.memory_space<hbm>> -> memref<1x2048xf32, #tpu.memory_space<hbm>>
        %dma_wait3A_339 = arith.constant 27 : i32
        %dma_wait3A_340 = arith.constant 0 : i32
        %dma_wait3A_341 = tpu.memref_slice %arg8[%dma_wait3A_339, %dma_wait3A_340] : memref<32x2048xf32, #tpu.memory_space<vmem>> -> memref<1x2048xf32, #tpu.memory_space<vmem>>
        tpu.wait_dma2 semaphore(%arg12 : memref<!tpu.dma_semaphore, #tpu.memory_space<semaphore_mem>>) src(%dma_wait3A_341 : memref<1x2048xf32, #tpu.memory_space<vmem>>) dst(%dma_wait3A_338 : memref<1x2048xf32, #tpu.memory_space<hbm>>)
      } else {
      }
      %parallel_loop3A_232 = arith.constant 0 : i32
      %parallel_loop3A_233 = arith.constant 128 : i32
      %parallel_loop3A_234 = arith.constant 1 : i32
      scf.for %parallel_loop3A_288 = %parallel_loop3A_232 to %parallel_loop3A_233 step %parallel_loop3A_234  : i32 {
        %parallel_loop3A_289 = arith.constant 16 : i32
        %parallel_loop3A_290 = arith.muli %parallel_loop3A_288, %parallel_loop3A_289 : i32
        %parallel_loop3A_291 = arith.constant 1 : i32
        %parallel_loop3A_292 = arith.index_cast %parallel_loop3A_291 : i32 to index
        %parallel_loop3A_293 = arith.index_cast %parallel_loop3A_290 : i32 to index
        %parallel_loop3A_294 = tpu.vector_load %arg6[%parallel_loop3A_292, %parallel_loop3A_293] {strides = array<i32>} : memref<2x2048xf32, #tpu.memory_space<vmem>>, vector<16xf32>,
        %parallel_loop3A_295 = arith.constant 5.000000e-01 : f32
        %parallel_loop3A_296 = vector.broadcast %parallel_loop3A_295 : f32 to vector<16xf32>
        %parallel_loop3A_297 = arith.addf %parallel_loop3A_294, %parallel_loop3A_296 : vector<16xf32>
        %parallel_loop3A_298 = arith.fptosi %parallel_loop3A_297 : vector<16xf32> to vector<16xi32>
        %parallel_loop3A_299 = arith.constant 0 : i32
        %parallel_loop3A_300 = vector.broadcast %parallel_loop3A_299 : i32 to vector<16xi32>
        %parallel_loop3A_301 = arith.addi %parallel_loop3A_298, %parallel_loop3A_300 : vector<16xi32>
        %parallel_loop3A_302 = tpu.vector_load_idx %arg7[%parallel_loop3A_301] : memref<12000xf32, #tpu.memory_space<vmem>>[vector<16xi32>], vector<16xf32>,
        %parallel_loop3A_303 = arith.constant 16 : i32
        %parallel_loop3A_304 = arith.muli %parallel_loop3A_288, %parallel_loop3A_303 : i32
        %parallel_loop3A_305 = arith.constant 16 : i32
        %parallel_loop3A_306 = arith.index_cast %parallel_loop3A_305 : i32 to index
        %parallel_loop3A_307 = arith.index_cast %parallel_loop3A_304 : i32 to index
        %parallel_loop3A_308 = tpu.vector_load %arg8[%parallel_loop3A_306, %parallel_loop3A_307] {strides = array<i32>} : memref<32x2048xf32, #tpu.memory_space<vmem>>, vector<16xf32>,
        tpu.vector_store %arg8[%parallel_loop3A_306, %parallel_loop3A_307], %parallel_loop3A_302 {strides = array<i32>} : memref<32x2048xf32, #tpu.memory_space<vmem>>, vector<16xf32>,
        %parallel_loop3A_309 = arith.constant 1000 : i32
        %parallel_loop3A_310 = vector.broadcast %parallel_loop3A_309 : i32 to vector<16xi32>
        %parallel_loop3A_311 = arith.addi %parallel_loop3A_298, %parallel_loop3A_310 : vector<16xi32>
        %parallel_loop3A_312 = tpu.vector_load_idx %arg7[%parallel_loop3A_311] : memref<12000xf32, #tpu.memory_space<vmem>>[vector<16xi32>], vector<16xf32>,
        %parallel_loop3A_313 = arith.constant 16 : i32
        %parallel_loop3A_314 = arith.muli %parallel_loop3A_288, %parallel_loop3A_313 : i32
        %parallel_loop3A_315 = arith.constant 17 : i32
        %parallel_loop3A_316 = arith.index_cast %parallel_loop3A_315 : i32 to index
        %parallel_loop3A_317 = arith.index_cast %parallel_loop3A_314 : i32 to index
        %parallel_loop3A_318 = tpu.vector_load %arg8[%parallel_loop3A_316, %parallel_loop3A_317] {strides = array<i32>} : memref<32x2048xf32, #tpu.memory_space<vmem>>, vector<16xf32>,
        tpu.vector_store %arg8[%parallel_loop3A_316, %parallel_loop3A_317], %parallel_loop3A_312 {strides = array<i32>} : memref<32x2048xf32, #tpu.memory_space<vmem>>, vector<16xf32>,
        %parallel_loop3A_319 = arith.constant 2000 : i32
        %parallel_loop3A_320 = vector.broadcast %parallel_loop3A_319 : i32 to vector<16xi32>
        %parallel_loop3A_321 = arith.addi %parallel_loop3A_298, %parallel_loop3A_320 : vector<16xi32>
        %parallel_loop3A_322 = tpu.vector_load_idx %arg7[%parallel_loop3A_321] : memref<12000xf32, #tpu.memory_space<vmem>>[vector<16xi32>], vector<16xf32>,
        %parallel_loop3A_323 = arith.constant 16 : i32
        %parallel_loop3A_324 = arith.muli %parallel_loop3A_288, %parallel_loop3A_323 : i32
        %parallel_loop3A_325 = arith.constant 18 : i32
        %parallel_loop3A_326 = arith.index_cast %parallel_loop3A_325 : i32 to index
        %parallel_loop3A_327 = arith.index_cast %parallel_loop3A_324 : i32 to index
        %parallel_loop3A_328 = tpu.vector_load %arg8[%parallel_loop3A_326, %parallel_loop3A_327] {strides = array<i32>} : memref<32x2048xf32, #tpu.memory_space<vmem>>, vector<16xf32>,
        tpu.vector_store %arg8[%parallel_loop3A_326, %parallel_loop3A_327], %parallel_loop3A_322 {strides = array<i32>} : memref<32x2048xf32, #tpu.memory_space<vmem>>, vector<16xf32>,
        %parallel_loop3A_329 = arith.constant 3000 : i32
        %parallel_loop3A_330 = vector.broadcast %parallel_loop3A_329 : i32 to vector<16xi32>
        %parallel_loop3A_331 = arith.addi %parallel_loop3A_298, %parallel_loop3A_330 : vector<16xi32>
        %parallel_loop3A_332 = tpu.vector_load_idx %arg7[%parallel_loop3A_331] : memref<12000xf32, #tpu.memory_space<vmem>>[vector<16xi32>], vector<16xf32>,
        %parallel_loop3A_333 = arith.constant 16 : i32
        %parallel_loop3A_334 = arith.muli %parallel_loop3A_288, %parallel_loop3A_333 : i32
        %parallel_loop3A_335 = arith.constant 19 : i32
        %parallel_loop3A_336 = arith.index_cast %parallel_loop3A_335 : i32 to index
        %parallel_loop3A_337 = arith.index_cast %parallel_loop3A_334 : i32 to index
        %parallel_loop3A_338 = tpu.vector_load %arg8[%parallel_loop3A_336, %parallel_loop3A_337] {strides = array<i32>} : memref<32x2048xf32, #tpu.memory_space<vmem>>, vector<16xf32>,
        tpu.vector_store %arg8[%parallel_loop3A_336, %parallel_loop3A_337], %parallel_loop3A_332 {strides = array<i32>} : memref<32x2048xf32, #tpu.memory_space<vmem>>, vector<16xf32>,
        %parallel_loop3A_339 = arith.constant 4000 : i32
        %parallel_loop3A_340 = vector.broadcast %parallel_loop3A_339 : i32 to vector<16xi32>
        %parallel_loop3A_341 = arith.addi %parallel_loop3A_298, %parallel_loop3A_340 : vector<16xi32>
        %parallel_loop3A_342 = tpu.vector_load_idx %arg7[%parallel_loop3A_341] : memref<12000xf32, #tpu.memory_space<vmem>>[vector<16xi32>], vector<16xf32>,
        %parallel_loop3A_343 = arith.constant 16 : i32
        %parallel_loop3A_344 = arith.muli %parallel_loop3A_288, %parallel_loop3A_343 : i32
        %parallel_loop3A_345 = arith.constant 20 : i32
        %parallel_loop3A_346 = arith.index_cast %parallel_loop3A_345 : i32 to index
        %parallel_loop3A_347 = arith.index_cast %parallel_loop3A_344 : i32 to index
        %parallel_loop3A_348 = tpu.vector_load %arg8[%parallel_loop3A_346, %parallel_loop3A_347] {strides = array<i32>} : memref<32x2048xf32, #tpu.memory_space<vmem>>, vector<16xf32>,
        tpu.vector_store %arg8[%parallel_loop3A_346, %parallel_loop3A_347], %parallel_loop3A_342 {strides = array<i32>} : memref<32x2048xf32, #tpu.memory_space<vmem>>, vector<16xf32>,
        %parallel_loop3A_349 = arith.constant 5000 : i32
        %parallel_loop3A_350 = vector.broadcast %parallel_loop3A_349 : i32 to vector<16xi32>
        %parallel_loop3A_351 = arith.addi %parallel_loop3A_298, %parallel_loop3A_350 : vector<16xi32>
        %parallel_loop3A_352 = tpu.vector_load_idx %arg7[%parallel_loop3A_351] : memref<12000xf32, #tpu.memory_space<vmem>>[vector<16xi32>], vector<16xf32>,
        %parallel_loop3A_353 = arith.constant 16 : i32
        %parallel_loop3A_354 = arith.muli %parallel_loop3A_288, %parallel_loop3A_353 : i32
        %parallel_loop3A_355 = arith.constant 21 : i32
        %parallel_loop3A_356 = arith.index_cast %parallel_loop3A_355 : i32 to index
        %parallel_loop3A_357 = arith.index_cast %parallel_loop3A_354 : i32 to index
        %parallel_loop3A_358 = tpu.vector_load %arg8[%parallel_loop3A_356, %parallel_loop3A_357] {strides = array<i32>} : memref<32x2048xf32, #tpu.memory_space<vmem>>, vector<16xf32>,
        tpu.vector_store %arg8[%parallel_loop3A_356, %parallel_loop3A_357], %parallel_loop3A_352 {strides = array<i32>} : memref<32x2048xf32, #tpu.memory_space<vmem>>, vector<16xf32>,
        %parallel_loop3A_359 = arith.constant 6000 : i32
        %parallel_loop3A_360 = vector.broadcast %parallel_loop3A_359 : i32 to vector<16xi32>
        %parallel_loop3A_361 = arith.addi %parallel_loop3A_298, %parallel_loop3A_360 : vector<16xi32>
        %parallel_loop3A_362 = tpu.vector_load_idx %arg7[%parallel_loop3A_361] : memref<12000xf32, #tpu.memory_space<vmem>>[vector<16xi32>], vector<16xf32>,
        %parallel_loop3A_363 = arith.constant 16 : i32
        %parallel_loop3A_364 = arith.muli %parallel_loop3A_288, %parallel_loop3A_363 : i32
        %parallel_loop3A_365 = arith.constant 22 : i32
        %parallel_loop3A_366 = arith.index_cast %parallel_loop3A_365 : i32 to index
        %parallel_loop3A_367 = arith.index_cast %parallel_loop3A_364 : i32 to index
        %parallel_loop3A_368 = tpu.vector_load %arg8[%parallel_loop3A_366, %parallel_loop3A_367] {strides = array<i32>} : memref<32x2048xf32, #tpu.memory_space<vmem>>, vector<16xf32>,
        tpu.vector_store %arg8[%parallel_loop3A_366, %parallel_loop3A_367], %parallel_loop3A_362 {strides = array<i32>} : memref<32x2048xf32, #tpu.memory_space<vmem>>, vector<16xf32>,
        %parallel_loop3A_369 = arith.constant 7000 : i32
        %parallel_loop3A_370 = vector.broadcast %parallel_loop3A_369 : i32 to vector<16xi32>
        %parallel_loop3A_371 = arith.addi %parallel_loop3A_298, %parallel_loop3A_370 : vector<16xi32>
        %parallel_loop3A_372 = tpu.vector_load_idx %arg7[%parallel_loop3A_371] : memref<12000xf32, #tpu.memory_space<vmem>>[vector<16xi32>], vector<16xf32>,
        %parallel_loop3A_373 = arith.constant 16 : i32
        %parallel_loop3A_374 = arith.muli %parallel_loop3A_288, %parallel_loop3A_373 : i32
        %parallel_loop3A_375 = arith.constant 23 : i32
        %parallel_loop3A_376 = arith.index_cast %parallel_loop3A_375 : i32 to index
        %parallel_loop3A_377 = arith.index_cast %parallel_loop3A_374 : i32 to index
        %parallel_loop3A_378 = tpu.vector_load %arg8[%parallel_loop3A_376, %parallel_loop3A_377] {strides = array<i32>} : memref<32x2048xf32, #tpu.memory_space<vmem>>, vector<16xf32>,
        tpu.vector_store %arg8[%parallel_loop3A_376, %parallel_loop3A_377], %parallel_loop3A_372 {strides = array<i32>} : memref<32x2048xf32, #tpu.memory_space<vmem>>, vector<16xf32>,
        %parallel_loop3A_379 = arith.constant 8000 : i32
        %parallel_loop3A_380 = vector.broadcast %parallel_loop3A_379 : i32 to vector<16xi32>
        %parallel_loop3A_381 = arith.addi %parallel_loop3A_298, %parallel_loop3A_380 : vector<16xi32>
        %parallel_loop3A_382 = tpu.vector_load_idx %arg7[%parallel_loop3A_381] : memref<12000xf32, #tpu.memory_space<vmem>>[vector<16xi32>], vector<16xf32>,
        %parallel_loop3A_383 = arith.constant 16 : i32
        %parallel_loop3A_384 = arith.muli %parallel_loop3A_288, %parallel_loop3A_383 : i32
        %parallel_loop3A_385 = arith.constant 24 : i32
        %parallel_loop3A_386 = arith.index_cast %parallel_loop3A_385 : i32 to index
        %parallel_loop3A_387 = arith.index_cast %parallel_loop3A_384 : i32 to index
        %parallel_loop3A_388 = tpu.vector_load %arg8[%parallel_loop3A_386, %parallel_loop3A_387] {strides = array<i32>} : memref<32x2048xf32, #tpu.memory_space<vmem>>, vector<16xf32>,
        tpu.vector_store %arg8[%parallel_loop3A_386, %parallel_loop3A_387], %parallel_loop3A_382 {strides = array<i32>} : memref<32x2048xf32, #tpu.memory_space<vmem>>, vector<16xf32>,
        %parallel_loop3A_389 = arith.constant 9000 : i32
        %parallel_loop3A_390 = vector.broadcast %parallel_loop3A_389 : i32 to vector<16xi32>
        %parallel_loop3A_391 = arith.addi %parallel_loop3A_298, %parallel_loop3A_390 : vector<16xi32>
        %parallel_loop3A_392 = tpu.vector_load_idx %arg7[%parallel_loop3A_391] : memref<12000xf32, #tpu.memory_space<vmem>>[vector<16xi32>], vector<16xf32>,
        %parallel_loop3A_393 = arith.constant 16 : i32
        %parallel_loop3A_394 = arith.muli %parallel_loop3A_288, %parallel_loop3A_393 : i32
        %parallel_loop3A_395 = arith.constant 25 : i32
        %parallel_loop3A_396 = arith.index_cast %parallel_loop3A_395 : i32 to index
        %parallel_loop3A_397 = arith.index_cast %parallel_loop3A_394 : i32 to index
        %parallel_loop3A_398 = tpu.vector_load %arg8[%parallel_loop3A_396, %parallel_loop3A_397] {strides = array<i32>} : memref<32x2048xf32, #tpu.memory_space<vmem>>, vector<16xf32>,
        tpu.vector_store %arg8[%parallel_loop3A_396, %parallel_loop3A_397], %parallel_loop3A_392 {strides = array<i32>} : memref<32x2048xf32, #tpu.memory_space<vmem>>, vector<16xf32>,
        %parallel_loop3A_399 = arith.constant 10000 : i32
        %parallel_loop3A_400 = vector.broadcast %parallel_loop3A_399 : i32 to vector<16xi32>
        %parallel_loop3A_401 = arith.addi %parallel_loop3A_298, %parallel_loop3A_400 : vector<16xi32>
        %parallel_loop3A_402 = tpu.vector_load_idx %arg7[%parallel_loop3A_401] : memref<12000xf32, #tpu.memory_space<vmem>>[vector<16xi32>], vector<16xf32>,
        %parallel_loop3A_403 = arith.constant 16 : i32
        %parallel_loop3A_404 = arith.muli %parallel_loop3A_288, %parallel_loop3A_403 : i32
        %parallel_loop3A_405 = arith.constant 26 : i32
        %parallel_loop3A_406 = arith.index_cast %parallel_loop3A_405 : i32 to index
        %parallel_loop3A_407 = arith.index_cast %parallel_loop3A_404 : i32 to index
        %parallel_loop3A_408 = tpu.vector_load %arg8[%parallel_loop3A_406, %parallel_loop3A_407] {strides = array<i32>} : memref<32x2048xf32, #tpu.memory_space<vmem>>, vector<16xf32>,
        tpu.vector_store %arg8[%parallel_loop3A_406, %parallel_loop3A_407], %parallel_loop3A_402 {strides = array<i32>} : memref<32x2048xf32, #tpu.memory_space<vmem>>, vector<16xf32>,
        %parallel_loop3A_409 = arith.constant 11000 : i32
        %parallel_loop3A_410 = vector.broadcast %parallel_loop3A_409 : i32 to vector<16xi32>
        %parallel_loop3A_411 = arith.addi %parallel_loop3A_298, %parallel_loop3A_410 : vector<16xi32>
        %parallel_loop3A_412 = tpu.vector_load_idx %arg7[%parallel_loop3A_411] : memref<12000xf32, #tpu.memory_space<vmem>>[vector<16xi32>], vector<16xf32>,
        %parallel_loop3A_413 = arith.constant 16 : i32
        %parallel_loop3A_414 = arith.muli %parallel_loop3A_288, %parallel_loop3A_413 : i32
        %parallel_loop3A_415 = arith.constant 27 : i32
        %parallel_loop3A_416 = arith.index_cast %parallel_loop3A_415 : i32 to index
        %parallel_loop3A_417 = arith.index_cast %parallel_loop3A_414 : i32 to index
        %parallel_loop3A_418 = tpu.vector_load %arg8[%parallel_loop3A_416, %parallel_loop3A_417] {strides = array<i32>} : memref<32x2048xf32, #tpu.memory_space<vmem>>, vector<16xf32>,
        tpu.vector_store %arg8[%parallel_loop3A_416, %parallel_loop3A_417], %parallel_loop3A_412 {strides = array<i32>} : memref<32x2048xf32, #tpu.memory_space<vmem>>, vector<16xf32>,
      } {sc.loop_unroll_factor = 2 : i64, sc.parallel_access}
      %mul3A_235 = arith.constant 2048 : i32
      %mul3A_236 = arith.muli %add3A_206, %mul3A_235 : i32
      %add3A_237 = arith.addi %mul3A_2, %mul3A_236 : i32
      %dma_start3A_238 = arith.constant 16 : i32
      %dma_start3A_239 = arith.constant 0 : i32
      %dma_start3A_240 = tpu.memref_slice %arg8[%dma_start3A_238, %dma_start3A_239] : memref<32x2048xf32, #tpu.memory_space<vmem>> -> memref<8x2048xf32, #tpu.memory_space<vmem>>
      %dma_start3A_241 = arith.constant 0 : i32
      %dma_start3A_242 = tpu.memref_slice %arg4[%dma_start3A_241, %add3A_237] : memref<9x1048576xf32, #tpu.memory_space<hbm>> -> memref<8x2048xf32, #tpu.memory_space<hbm>>
      %dma_start3A_243 = arith.constant 0 : i32
      %dma_start3A_244 = tpu.memref_slice %arg4[%dma_start3A_243, %add3A_237] : memref<9x1048576xf32, #tpu.memory_space<hbm>> -> memref<8x2048xf32, #tpu.memory_space<hbm>>
      %dma_start3A_245 = arith.constant 16 : i32
      %dma_start3A_246 = arith.constant 0 : i32
      %dma_start3A_247 = tpu.memref_slice %arg8[%dma_start3A_245, %dma_start3A_246] : memref<32x2048xf32, #tpu.memory_space<vmem>> -> memref<8x2048xf32, #tpu.memory_space<vmem>>
      tpu.enqueue_dma source(%dma_start3A_247 : memref<8x2048xf32, #tpu.memory_space<vmem>>) target(%dma_start3A_244 : memref<8x2048xf32, #tpu.memory_space<hbm>>) target_semaphore(%arg12 : memref<!tpu.dma_semaphore, #tpu.memory_space<semaphore_mem>>)
      %dma_start3A_248 = arith.constant 24 : i32
      %dma_start3A_249 = arith.constant 0 : i32
      %dma_start3A_250 = tpu.memref_slice %arg8[%dma_start3A_248, %dma_start3A_249] : memref<32x2048xf32, #tpu.memory_space<vmem>> -> memref<1x2048xf32, #tpu.memory_space<vmem>>
      %dma_start3A_251 = arith.constant 8 : i32
      %dma_start3A_252 = tpu.memref_slice %arg4[%dma_start3A_251, %add3A_237] : memref<9x1048576xf32, #tpu.memory_space<hbm>> -> memref<1x2048xf32, #tpu.memory_space<hbm>>
      %dma_start3A_253 = arith.constant 8 : i32
      %dma_start3A_254 = tpu.memref_slice %arg4[%dma_start3A_253, %add3A_237] : memref<9x1048576xf32, #tpu.memory_space<hbm>> -> memref<1x2048xf32, #tpu.memory_space<hbm>>
      %dma_start3A_255 = arith.constant 24 : i32
      %dma_start3A_256 = arith.constant 0 : i32
      %dma_start3A_257 = tpu.memref_slice %arg8[%dma_start3A_255, %dma_start3A_256] : memref<32x2048xf32, #tpu.memory_space<vmem>> -> memref<1x2048xf32, #tpu.memory_space<vmem>>
      tpu.enqueue_dma source(%dma_start3A_257 : memref<1x2048xf32, #tpu.memory_space<vmem>>) target(%dma_start3A_254 : memref<1x2048xf32, #tpu.memory_space<hbm>>) target_semaphore(%arg12 : memref<!tpu.dma_semaphore, #tpu.memory_space<semaphore_mem>>)
      %dma_start3A_258 = arith.constant 25 : i32
      %dma_start3A_259 = arith.constant 0 : i32
      %dma_start3A_260 = tpu.memref_slice %arg8[%dma_start3A_258, %dma_start3A_259] : memref<32x2048xf32, #tpu.memory_space<vmem>> -> memref<1x2048xf32, #tpu.memory_space<vmem>>
      %dma_start3A_261 = arith.constant 0 : i32
      %dma_start3A_262 = tpu.memref_slice %arg5[%dma_start3A_261, %add3A_237] : memref<3x1048576xf32, #tpu.memory_space<hbm>> -> memref<1x2048xf32, #tpu.memory_space<hbm>>
      %dma_start3A_263 = arith.constant 0 : i32
      %dma_start3A_264 = tpu.memref_slice %arg5[%dma_start3A_263, %add3A_237] : memref<3x1048576xf32, #tpu.memory_space<hbm>> -> memref<1x2048xf32, #tpu.memory_space<hbm>>
      %dma_start3A_265 = arith.constant 25 : i32
      %dma_start3A_266 = arith.constant 0 : i32
      %dma_start3A_267 = tpu.memref_slice %arg8[%dma_start3A_265, %dma_start3A_266] : memref<32x2048xf32, #tpu.memory_space<vmem>> -> memref<1x2048xf32, #tpu.memory_space<vmem>>
      tpu.enqueue_dma source(%dma_start3A_267 : memref<1x2048xf32, #tpu.memory_space<vmem>>) target(%dma_start3A_264 : memref<1x2048xf32, #tpu.memory_space<hbm>>) target_semaphore(%arg12 : memref<!tpu.dma_semaphore, #tpu.memory_space<semaphore_mem>>)
      %dma_start3A_268 = arith.constant 26 : i32
      %dma_start3A_269 = arith.constant 0 : i32
      %dma_start3A_270 = tpu.memref_slice %arg8[%dma_start3A_268, %dma_start3A_269] : memref<32x2048xf32, #tpu.memory_space<vmem>> -> memref<1x2048xf32, #tpu.memory_space<vmem>>
      %dma_start3A_271 = arith.constant 1 : i32
      %dma_start3A_272 = tpu.memref_slice %arg5[%dma_start3A_271, %add3A_237] : memref<3x1048576xf32, #tpu.memory_space<hbm>> -> memref<1x2048xf32, #tpu.memory_space<hbm>>
      %dma_start3A_273 = arith.constant 1 : i32
      %dma_start3A_274 = tpu.memref_slice %arg5[%dma_start3A_273, %add3A_237] : memref<3x1048576xf32, #tpu.memory_space<hbm>> -> memref<1x2048xf32, #tpu.memory_space<hbm>>
      %dma_start3A_275 = arith.constant 26 : i32
      %dma_start3A_276 = arith.constant 0 : i32
      %dma_start3A_277 = tpu.memref_slice %arg8[%dma_start3A_275, %dma_start3A_276] : memref<32x2048xf32, #tpu.memory_space<vmem>> -> memref<1x2048xf32, #tpu.memory_space<vmem>>
      tpu.enqueue_dma source(%dma_start3A_277 : memref<1x2048xf32, #tpu.memory_space<vmem>>) target(%dma_start3A_274 : memref<1x2048xf32, #tpu.memory_space<hbm>>) target_semaphore(%arg12 : memref<!tpu.dma_semaphore, #tpu.memory_space<semaphore_mem>>)
      %dma_start3A_278 = arith.constant 27 : i32
      %dma_start3A_279 = arith.constant 0 : i32
      %dma_start3A_280 = tpu.memref_slice %arg8[%dma_start3A_278, %dma_start3A_279] : memref<32x2048xf32, #tpu.memory_space<vmem>> -> memref<1x2048xf32, #tpu.memory_space<vmem>>
      %dma_start3A_281 = arith.constant 2 : i32
      %dma_start3A_282 = tpu.memref_slice %arg5[%dma_start3A_281, %add3A_237] : memref<3x1048576xf32, #tpu.memory_space<hbm>> -> memref<1x2048xf32, #tpu.memory_space<hbm>>
      %dma_start3A_283 = arith.constant 2 : i32
      %dma_start3A_284 = tpu.memref_slice %arg5[%dma_start3A_283, %add3A_237] : memref<3x1048576xf32, #tpu.memory_space<hbm>> -> memref<1x2048xf32, #tpu.memory_space<hbm>>
      %dma_start3A_285 = arith.constant 27 : i32
      %dma_start3A_286 = arith.constant 0 : i32
      %dma_start3A_287 = tpu.memref_slice %arg8[%dma_start3A_285, %dma_start3A_286] : memref<32x2048xf32, #tpu.memory_space<vmem>> -> memref<1x2048xf32, #tpu.memory_space<vmem>>
      tpu.enqueue_dma source(%dma_start3A_287 : memref<1x2048xf32, #tpu.memory_space<vmem>>) target(%dma_start3A_284 : memref<1x2048xf32, #tpu.memory_space<hbm>>) target_semaphore(%arg12 : memref<!tpu.dma_semaphore, #tpu.memory_space<semaphore_mem>>)
    }
    %scan3A_18 = arith.constant 8 : i32
    %add3A_19 = arith.constant 28672 : i32
    %add3A_20 = arith.addi %mul3A_2, %add3A_19 : i32
    %dma_wait3A = arith.constant 0 : i32
    %dma_wait3A_21 = arith.constant 0 : i32
    %dma_wait3A_22 = tpu.memref_slice %arg8[%dma_wait3A, %dma_wait3A_21] : memref<32x2048xf32, #tpu.memory_space<vmem>> -> memref<8x2048xf32, #tpu.memory_space<vmem>>
    %dma_wait3A_23 = arith.constant 0 : i32
    %dma_wait3A_24 = tpu.memref_slice %arg4[%dma_wait3A_23, %add3A_20] : memref<9x1048576xf32, #tpu.memory_space<hbm>> -> memref<8x2048xf32, #tpu.memory_space<hbm>>
    %dma_wait3A_25 = arith.constant 0 : i32
    %dma_wait3A_26 = tpu.memref_slice %arg4[%dma_wait3A_25, %add3A_20] : memref<9x1048576xf32, #tpu.memory_space<hbm>> -> memref<8x2048xf32, #tpu.memory_space<hbm>>
    %dma_wait3A_27 = arith.constant 0 : i32
    %dma_wait3A_28 = arith.constant 0 : i32
    %dma_wait3A_29 = tpu.memref_slice %arg8[%dma_wait3A_27, %dma_wait3A_28] : memref<32x2048xf32, #tpu.memory_space<vmem>> -> memref<8x2048xf32, #tpu.memory_space<vmem>>
    tpu.wait_dma2 semaphore(%arg11 : memref<!tpu.dma_semaphore, #tpu.memory_space<semaphore_mem>>) src(%dma_wait3A_29 : memref<8x2048xf32, #tpu.memory_space<vmem>>) dst(%dma_wait3A_26 : memref<8x2048xf32, #tpu.memory_space<hbm>>)
    %dma_wait3A_30 = arith.constant 8 : i32
    %dma_wait3A_31 = arith.constant 0 : i32
    %dma_wait3A_32 = tpu.memref_slice %arg8[%dma_wait3A_30, %dma_wait3A_31] : memref<32x2048xf32, #tpu.memory_space<vmem>> -> memref<1x2048xf32, #tpu.memory_space<vmem>>
    %dma_wait3A_33 = arith.constant 8 : i32
    %dma_wait3A_34 = tpu.memref_slice %arg4[%dma_wait3A_33, %add3A_20] : memref<9x1048576xf32, #tpu.memory_space<hbm>> -> memref<1x2048xf32, #tpu.memory_space<hbm>>
    %dma_wait3A_35 = arith.constant 8 : i32
    %dma_wait3A_36 = tpu.memref_slice %arg4[%dma_wait3A_35, %add3A_20] : memref<9x1048576xf32, #tpu.memory_space<hbm>> -> memref<1x2048xf32, #tpu.memory_space<hbm>>
    %dma_wait3A_37 = arith.constant 8 : i32
    %dma_wait3A_38 = arith.constant 0 : i32
    %dma_wait3A_39 = tpu.memref_slice %arg8[%dma_wait3A_37, %dma_wait3A_38] : memref<32x2048xf32, #tpu.memory_space<vmem>> -> memref<1x2048xf32, #tpu.memory_space<vmem>>
    tpu.wait_dma2 semaphore(%arg11 : memref<!tpu.dma_semaphore, #tpu.memory_space<semaphore_mem>>) src(%dma_wait3A_39 : memref<1x2048xf32, #tpu.memory_space<vmem>>) dst(%dma_wait3A_36 : memref<1x2048xf32, #tpu.memory_space<hbm>>)
    %dma_wait3A_40 = arith.constant 9 : i32
    %dma_wait3A_41 = arith.constant 0 : i32
    %dma_wait3A_42 = tpu.memref_slice %arg8[%dma_wait3A_40, %dma_wait3A_41] : memref<32x2048xf32, #tpu.memory_space<vmem>> -> memref<1x2048xf32, #tpu.memory_space<vmem>>
    %dma_wait3A_43 = arith.constant 0 : i32
    %dma_wait3A_44 = tpu.memref_slice %arg5[%dma_wait3A_43, %add3A_20] : memref<3x1048576xf32, #tpu.memory_space<hbm>> -> memref<1x2048xf32, #tpu.memory_space<hbm>>
    %dma_wait3A_45 = arith.constant 0 : i32
    %dma_wait3A_46 = tpu.memref_slice %arg5[%dma_wait3A_45, %add3A_20] : memref<3x1048576xf32, #tpu.memory_space<hbm>> -> memref<1x2048xf32, #tpu.memory_space<hbm>>
    %dma_wait3A_47 = arith.constant 9 : i32
    %dma_wait3A_48 = arith.constant 0 : i32
    %dma_wait3A_49 = tpu.memref_slice %arg8[%dma_wait3A_47, %dma_wait3A_48] : memref<32x2048xf32, #tpu.memory_space<vmem>> -> memref<1x2048xf32, #tpu.memory_space<vmem>>
    tpu.wait_dma2 semaphore(%arg11 : memref<!tpu.dma_semaphore, #tpu.memory_space<semaphore_mem>>) src(%dma_wait3A_49 : memref<1x2048xf32, #tpu.memory_space<vmem>>) dst(%dma_wait3A_46 : memref<1x2048xf32, #tpu.memory_space<hbm>>)
    %dma_wait3A_50 = arith.constant 10 : i32
    %dma_wait3A_51 = arith.constant 0 : i32
    %dma_wait3A_52 = tpu.memref_slice %arg8[%dma_wait3A_50, %dma_wait3A_51] : memref<32x2048xf32, #tpu.memory_space<vmem>> -> memref<1x2048xf32, #tpu.memory_space<vmem>>
    %dma_wait3A_53 = arith.constant 1 : i32
    %dma_wait3A_54 = tpu.memref_slice %arg5[%dma_wait3A_53, %add3A_20] : memref<3x1048576xf32, #tpu.memory_space<hbm>> -> memref<1x2048xf32, #tpu.memory_space<hbm>>
    %dma_wait3A_55 = arith.constant 1 : i32
    %dma_wait3A_56 = tpu.memref_slice %arg5[%dma_wait3A_55, %add3A_20] : memref<3x1048576xf32, #tpu.memory_space<hbm>> -> memref<1x2048xf32, #tpu.memory_space<hbm>>
    %dma_wait3A_57 = arith.constant 10 : i32
    %dma_wait3A_58 = arith.constant 0 : i32
    %dma_wait3A_59 = tpu.memref_slice %arg8[%dma_wait3A_57, %dma_wait3A_58] : memref<32x2048xf32, #tpu.memory_space<vmem>> -> memref<1x2048xf32, #tpu.memory_space<vmem>>
    tpu.wait_dma2 semaphore(%arg11 : memref<!tpu.dma_semaphore, #tpu.memory_space<semaphore_mem>>) src(%dma_wait3A_59 : memref<1x2048xf32, #tpu.memory_space<vmem>>) dst(%dma_wait3A_56 : memref<1x2048xf32, #tpu.memory_space<hbm>>)
    %dma_wait3A_60 = arith.constant 11 : i32
    %dma_wait3A_61 = arith.constant 0 : i32
    %dma_wait3A_62 = tpu.memref_slice %arg8[%dma_wait3A_60, %dma_wait3A_61] : memref<32x2048xf32, #tpu.memory_space<vmem>> -> memref<1x2048xf32, #tpu.memory_space<vmem>>
    %dma_wait3A_63 = arith.constant 2 : i32
    %dma_wait3A_64 = tpu.memref_slice %arg5[%dma_wait3A_63, %add3A_20] : memref<3x1048576xf32, #tpu.memory_space<hbm>> -> memref<1x2048xf32, #tpu.memory_space<hbm>>
    %dma_wait3A_65 = arith.constant 2 : i32
    %dma_wait3A_66 = tpu.memref_slice %arg5[%dma_wait3A_65, %add3A_20] : memref<3x1048576xf32, #tpu.memory_space<hbm>> -> memref<1x2048xf32, #tpu.memory_space<hbm>>
    %dma_wait3A_67 = arith.constant 11 : i32
    %dma_wait3A_68 = arith.constant 0 : i32
    %dma_wait3A_69 = tpu.memref_slice %arg8[%dma_wait3A_67, %dma_wait3A_68] : memref<32x2048xf32, #tpu.memory_space<vmem>> -> memref<1x2048xf32, #tpu.memory_space<vmem>>
    tpu.wait_dma2 semaphore(%arg11 : memref<!tpu.dma_semaphore, #tpu.memory_space<semaphore_mem>>) src(%dma_wait3A_69 : memref<1x2048xf32, #tpu.memory_space<vmem>>) dst(%dma_wait3A_66 : memref<1x2048xf32, #tpu.memory_space<hbm>>)
    %add3A_70 = arith.constant 30720 : i32
    %add3A_71 = arith.addi %mul3A_2, %add3A_70 : i32
    %dma_wait3A_72 = arith.constant 16 : i32
    %dma_wait3A_73 = arith.constant 0 : i32
    %dma_wait3A_74 = tpu.memref_slice %arg8[%dma_wait3A_72, %dma_wait3A_73] : memref<32x2048xf32, #tpu.memory_space<vmem>> -> memref<8x2048xf32, #tpu.memory_space<vmem>>
    %dma_wait3A_75 = arith.constant 0 : i32
    %dma_wait3A_76 = tpu.memref_slice %arg4[%dma_wait3A_75, %add3A_71] : memref<9x1048576xf32, #tpu.memory_space<hbm>> -> memref<8x2048xf32, #tpu.memory_space<hbm>>
    %dma_wait3A_77 = arith.constant 0 : i32
    %dma_wait3A_78 = tpu.memref_slice %arg4[%dma_wait3A_77, %add3A_71] : memref<9x1048576xf32, #tpu.memory_space<hbm>> -> memref<8x2048xf32, #tpu.memory_space<hbm>>
    %dma_wait3A_79 = arith.constant 16 : i32
    %dma_wait3A_80 = arith.constant 0 : i32
    %dma_wait3A_81 = tpu.memref_slice %arg8[%dma_wait3A_79, %dma_wait3A_80] : memref<32x2048xf32, #tpu.memory_space<vmem>> -> memref<8x2048xf32, #tpu.memory_space<vmem>>
    tpu.wait_dma2 semaphore(%arg12 : memref<!tpu.dma_semaphore, #tpu.memory_space<semaphore_mem>>) src(%dma_wait3A_81 : memref<8x2048xf32, #tpu.memory_space<vmem>>) dst(%dma_wait3A_78 : memref<8x2048xf32, #tpu.memory_space<hbm>>)
    %dma_wait3A_82 = arith.constant 24 : i32
    %dma_wait3A_83 = arith.constant 0 : i32
    %dma_wait3A_84 = tpu.memref_slice %arg8[%dma_wait3A_82, %dma_wait3A_83] : memref<32x2048xf32, #tpu.memory_space<vmem>> -> memref<1x2048xf32, #tpu.memory_space<vmem>>
    %dma_wait3A_85 = arith.constant 8 : i32
    %dma_wait3A_86 = tpu.memref_slice %arg4[%dma_wait3A_85, %add3A_71] : memref<9x1048576xf32, #tpu.memory_space<hbm>> -> memref<1x2048xf32, #tpu.memory_space<hbm>>
    %dma_wait3A_87 = arith.constant 8 : i32
    %dma_wait3A_88 = tpu.memref_slice %arg4[%dma_wait3A_87, %add3A_71] : memref<9x1048576xf32, #tpu.memory_space<hbm>> -> memref<1x2048xf32, #tpu.memory_space<hbm>>
    %dma_wait3A_89 = arith.constant 24 : i32
    %dma_wait3A_90 = arith.constant 0 : i32
    %dma_wait3A_91 = tpu.memref_slice %arg8[%dma_wait3A_89, %dma_wait3A_90] : memref<32x2048xf32, #tpu.memory_space<vmem>> -> memref<1x2048xf32, #tpu.memory_space<vmem>>
    tpu.wait_dma2 semaphore(%arg12 : memref<!tpu.dma_semaphore, #tpu.memory_space<semaphore_mem>>) src(%dma_wait3A_91 : memref<1x2048xf32, #tpu.memory_space<vmem>>) dst(%dma_wait3A_88 : memref<1x2048xf32, #tpu.memory_space<hbm>>)
    %dma_wait3A_92 = arith.constant 25 : i32
    %dma_wait3A_93 = arith.constant 0 : i32
    %dma_wait3A_94 = tpu.memref_slice %arg8[%dma_wait3A_92, %dma_wait3A_93] : memref<32x2048xf32, #tpu.memory_space<vmem>> -> memref<1x2048xf32, #tpu.memory_space<vmem>>
    %dma_wait3A_95 = arith.constant 0 : i32
    %dma_wait3A_96 = tpu.memref_slice %arg5[%dma_wait3A_95, %add3A_71] : memref<3x1048576xf32, #tpu.memory_space<hbm>> -> memref<1x2048xf32, #tpu.memory_space<hbm>>
    %dma_wait3A_97 = arith.constant 0 : i32
    %dma_wait3A_98 = tpu.memref_slice %arg5[%dma_wait3A_97, %add3A_71] : memref<3x1048576xf32, #tpu.memory_space<hbm>> -> memref<1x2048xf32, #tpu.memory_space<hbm>>
    %dma_wait3A_99 = arith.constant 25 : i32
    %dma_wait3A_100 = arith.constant 0 : i32
    %dma_wait3A_101 = tpu.memref_slice %arg8[%dma_wait3A_99, %dma_wait3A_100] : memref<32x2048xf32, #tpu.memory_space<vmem>> -> memref<1x2048xf32, #tpu.memory_space<vmem>>
    tpu.wait_dma2 semaphore(%arg12 : memref<!tpu.dma_semaphore, #tpu.memory_space<semaphore_mem>>) src(%dma_wait3A_101 : memref<1x2048xf32, #tpu.memory_space<vmem>>) dst(%dma_wait3A_98 : memref<1x2048xf32, #tpu.memory_space<hbm>>)
    %dma_wait3A_102 = arith.constant 26 : i32
    %dma_wait3A_103 = arith.constant 0 : i32
    %dma_wait3A_104 = tpu.memref_slice %arg8[%dma_wait3A_102, %dma_wait3A_103] : memref<32x2048xf32, #tpu.memory_space<vmem>> -> memref<1x2048xf32, #tpu.memory_space<vmem>>
    %dma_wait3A_105 = arith.constant 1 : i32
    %dma_wait3A_106 = tpu.memref_slice %arg5[%dma_wait3A_105, %add3A_71] : memref<3x1048576xf32, #tpu.memory_space<hbm>> -> memref<1x2048xf32, #tpu.memory_space<hbm>>
    %dma_wait3A_107 = arith.constant 1 : i32
    %dma_wait3A_108 = tpu.memref_slice %arg5[%dma_wait3A_107, %add3A_71] : memref<3x1048576xf32, #tpu.memory_space<hbm>> -> memref<1x2048xf32, #tpu.memory_space<hbm>>
    %dma_wait3A_109 = arith.constant 26 : i32
    %dma_wait3A_110 = arith.constant 0 : i32
    %dma_wait3A_111 = tpu.memref_slice %arg8[%dma_wait3A_109, %dma_wait3A_110] : memref<32x2048xf32, #tpu.memory_space<vmem>> -> memref<1x2048xf32, #tpu.memory_space<vmem>>
    tpu.wait_dma2 semaphore(%arg12 : memref<!tpu.dma_semaphore, #tpu.memory_space<semaphore_mem>>) src(%dma_wait3A_111 : memref<1x2048xf32, #tpu.memory_space<vmem>>) dst(%dma_wait3A_108 : memref<1x2048xf32, #tpu.memory_space<hbm>>)
    %dma_wait3A_112 = arith.constant 27 : i32
    %dma_wait3A_113 = arith.constant 0 : i32
    %dma_wait3A_114 = tpu.memref_slice %arg8[%dma_wait3A_112, %dma_wait3A_113] : memref<32x2048xf32, #tpu.memory_space<vmem>> -> memref<1x2048xf32, #tpu.memory_space<vmem>>
    %dma_wait3A_115 = arith.constant 2 : i32
    %dma_wait3A_116 = tpu.memref_slice %arg5[%dma_wait3A_115, %add3A_71] : memref<3x1048576xf32, #tpu.memory_space<hbm>> -> memref<1x2048xf32, #tpu.memory_space<hbm>>
    %dma_wait3A_117 = arith.constant 2 : i32
    %dma_wait3A_118 = tpu.memref_slice %arg5[%dma_wait3A_117, %add3A_71] : memref<3x1048576xf32, #tpu.memory_space<hbm>> -> memref<1x2048xf32, #tpu.memory_space<hbm>>
    %dma_wait3A_119 = arith.constant 27 : i32
    %dma_wait3A_120 = arith.constant 0 : i32
    %dma_wait3A_121 = tpu.memref_slice %arg8[%dma_wait3A_119, %dma_wait3A_120] : memref<32x2048xf32, #tpu.memory_space<vmem>> -> memref<1x2048xf32, #tpu.memory_space<vmem>>
    tpu.wait_dma2 semaphore(%arg12 : memref<!tpu.dma_semaphore, #tpu.memory_space<semaphore_mem>>) src(%dma_wait3A_121 : memref<1x2048xf32, #tpu.memory_space<vmem>>) dst(%dma_wait3A_118 : memref<1x2048xf32, #tpu.memory_space<hbm>>)
    return
  }
}

</mosaic_0001>

<sc_bundles>
// kernel: kernel.3.cloned.1.call-start
scs
__scs_entry_jumppad:
0x0: {  	(pc) =	sbr.rel $0x88, $3  }
0x1: {  	(tag) =	ssettag $0x0;
	lr =	simm.s32 $0x1  }
0x2: {  	[smem:$0x3F9F] =	sst lr;
	_ =	strace $0xD0000000  }
0x3: {  	_ = 	snop  }
0x4: {  	_ = 	snop  }
0x5: {  	_ = 	snop  }
0x6: {  	_ = 	snop  }
0x7: {  	_ = 	snop  }
__scs_overlays_trampoline_lowered:
0x8: {  	[smem:$0x3FAE] =	sst s0  }
0x9: {  	[smem:$0x3FAF] =	sst s1  }
0xa: {  	[smem:$0x3FB0] =	sst s2  }
0xb: {  	[smem:$0x3FB1] =	sst s3  }
0xc: {  	[smem:$0x3FB2] =	sst s4  }
0xd: {  	[smem:$0x3FB3] =	sst s5  }
0xe: {  	[smem:$0x3FB4] =	sst s6  }
0xf: {  	[smem:$0x3FB5] =	sst s7  }
0x10: {  	[smem:$0x3FB6] =	sst s8  }
0x11: {  	[smem:$0x3FB7] =	sst s9;
	s0 =	simm.s32 @!p0 $0x0  }
0x12: {  	s1 =	sld [smem:$0x3F9D];
	s0 =	simm.s32 @p0 $0x1  }
0x13: {  	[smem:$0x3FB8] =	sst s0;
	s0 =	simm.s32 @!p1 $0x0  }
0x14: {  	s2 =	sld [smem:$0x3F9C];
	s0 =	simm.s32 @p1 $0x1  }
0x15: {  	[smem:$0x3FB9] =	sst s0;
	s0 =	simm.s32 @!p2 $0x0  }
0x16: {  	s3 =	sld [smem:$0x3FDB];
	s0 =	simm.s32 @p2 $0x1  }
0x17: {  	s4 =	simm.s32 $0x1BF5;
	[smem:$0x3FBB] =	sst s0  }
0x18: {  	s0 =	sld [smem:$0x3F9E];
	_ =	swait.ge [sflag:s4], $0x0  }
0x19: {  	s7 =	sld [smem:$0x3F9F]  }
0x1a: {  	s8 =	sadd.s32 $0xFFFFE003, lr  }
0x1b: {  	s9 =	sadd.s32 $0xFFFFFEF7, lr;
	s5 =	simm.s32 $0xFFFFFFFF;
	p2 =	slt.u32 s8, $0xFFFFF086  }
0x1c: {  	p1 =	slt.u32 s9, $0xF7A;
	s5 =	simm.s32 @!p2 $0x0  }
0x1d: {  	s5 =	simm.s32 @p1 $0x1;
	p0 =	seq.s32 s7, s2  }
0x1e: {  	s7 =	smul.u32 @!p0 $0xF7A, s2;
	p2 =	seq.s32 @!p0 s5, $0x0  }
0x1f: {  	s9 =	smul.u32 $0xF7A, s1;
	s8 =	simm.s32 @!p0 $0x1BF5;
	p2 =	por !p2, p0  }
0x20: {  	[sflag:s8] =	ssyncset.s32 @!p0 $0xFFFFF086;
	s6 =	sadd.s32 @!p0 s3, s7;
	s7 =	simm.s32 @!p0 $0x108  }
0x21: {  	s3 =	sadd.s32 s3, s9;
	s6 =	sadd.s32 @!p0 $0x88, s6;
	s7 =	simm.s32 @p2 $0x1082  }
0x22: {  	[simem:s7], [sflag:s8] =	dma.local @!p0 [hbm:s6], $0xF7A  }
0x23: {  	s9 =	sor.u32 $0xD0000000, s2;
	s6 =	simm.s32 $0x108;
	_ =	swait.ge @!p0 [sflag:s8], $0x0  }
0x24: {  	s3 =	sadd.s32 $0x88, s3;
	s6 =	simm.s32 @!p1 $0x1082;
	[sflag:s4] =	ssyncset.s32 $0xFFFFF086  }
0x25: {  	[simem:s6], [sflag:s4] =	dma.local [hbm:s3], $0xF7A  }
0x26: {  	[smem:$0x3F9F] =	sst s1;
	(tag) =	ssettag s2;
	_ =	strace s9  }
0x27: {  	s1 =	sld [smem:$0x3FAF]  }
0x28: {  	s2 =	sld [smem:$0x3FB0]  }
0x29: {  	s4 =	sld [smem:$0x3FB2]  }
0x2a: {  	p0 =	seq.s32 s5, $0x0;
	s5 =	sld [smem:$0x3FB3]  }
0x2b: {  	s6 =	sld [smem:$0x3FB4]  }
0x2c: {  	s7 =	sld [smem:$0x3FB5]  }
0x2d: {  	s3 =	simm.s32 $0x108;
	s8 =	sld [smem:$0x3FB6]  }
0x2e: {  	s3 =	simm.s32 @!p0 $0x1082;
	s9 =	sld [smem:$0x3FB7]  }
0x2f: {  	lr =	sadd.s32 s0, s3;
	s0 =	sld [smem:$0x3FAE]  }
0x30: {  	s3 =	sld [smem:$0x3FB1]  }
0x31: {  	[smem:$0x3FBA] =	sst s10  }
0x32: {  	s10 =	sld [smem:$0x3FB8];
	_ =	sdelay $0x3  }
0x33: {  	p0 =	seq.s32 s10, $0x1;
	s10 =	sld [smem:$0x3FBA];
	_ =	sdelay $0x3  }
0x34: {  	[smem:$0x3FBA] =	sst s10  }
0x35: {  	s10 =	sld [smem:$0x3FB9];
	_ =	sdelay $0x3  }
0x36: {  	p1 =	seq.s32 s10, $0x1;
	s10 =	sld [smem:$0x3FBA];
	_ =	sdelay $0x3  }
0x37: {  	[smem:$0x3FBA] =	sst s10  }
0x38: {  	s10 =	sld [smem:$0x3FBB]  }
0x39: {  	_ = 	snop;
	(pc) =	sbr.ind lr, $3  }
0x3a: {  	_ = 	snop  }
0x3b: {  	_ = 	snop  }
0x3c: {  	p2 =	seq.s32 s10, $0x1;
	s10 =	sld [smem:$0x3FBA]  }
0x3d: {  	_ =	shalt  }
0x3e: {  	_ =	shalt  }
0x3f: {  	_ =	shalt  }
0x40: {  	_ =	shalt  }
0x41: {  	_ =	shalt  }
0x42: {  	_ =	shalt  }
0x43: {  	_ =	shalt  }
0x44: {  	_ =	shalt  }
0x45: {  	_ =	shalt  }
0x46: {  	_ =	shalt  }
0x47: {  	_ =	shalt  }
0x48: {  	_ =	shalt  }
0x49: {  	_ =	shalt  }
0x4a: {  	_ =	shalt  }
0x4b: {  	_ =	shalt  }
0x4c: {  	_ =	shalt  }
0x4d: {  	_ =	shalt  }
0x4e: {  	_ =	shalt  }
0x4f: {  	_ =	shalt  }
0x50: {  	_ =	shalt  }
0x51: {  	_ =	shalt  }
0x52: {  	_ =	shalt  }
0x53: {  	_ =	shalt  }
0x54: {  	_ =	shalt  }
0x55: {  	_ =	shalt  }
0x56: {  	_ =	shalt  }
0x57: {  	_ =	shalt  }
0x58: {  	_ =	shalt  }
0x59: {  	_ =	shalt  }
0x5a: {  	_ =	shalt  }
0x5b: {  	_ =	shalt  }
0x5c: {  	_ =	shalt  }
0x5d: {  	_ =	shalt  }
0x5e: {  	_ =	shalt  }
0x5f: {  	_ =	shalt  }
0x60: {  	_ =	shalt  }
0x61: {  	_ =	shalt  }
0x62: {  	_ =	shalt  }
0x63: {  	_ =	shalt  }
0x64: {  	_ =	shalt  }
0x65: {  	_ =	shalt  }
0x66: {  	_ =	shalt  }
0x67: {  	_ =	shalt  }
0x68: {  	_ =	shalt  }
0x69: {  	_ =	shalt  }
0x6a: {  	_ =	shalt  }
0x6b: {  	_ =	shalt  }
0x6c: {  	_ =	shalt  }
0x6d: {  	_ =	shalt  }
0x6e: {  	_ =	shalt  }
0x6f: {  	_ =	shalt  }
0x70: {  	_ =	shalt  }
0x71: {  	_ =	shalt  }
0x72: {  	_ =	shalt  }
0x73: {  	_ =	shalt  }
0x74: {  	_ =	shalt  }
0x75: {  	_ =	shalt  }
0x76: {  	_ =	shalt  }
0x77: {  	_ =	shalt  }
0x78: {  	_ =	shalt  }
0x79: {  	_ =	shalt  }
0x7a: {  	_ =	shalt  }
0x7b: {  	_ =	shalt  }
0x7c: {  	_ =	shalt  }
0x7d: {  	_ =	shalt  }
0x7e: {  	_ =	shalt  }
0x7f: {  	_ =	shalt  }
0x80: {  	_ =	shalt  }
0x81: {  	_ =	shalt  }
0x82: {  	_ =	shalt  }
0x83: {  	_ =	shalt  }
0x84: {  	_ =	shalt  }
0x85: {  	_ =	shalt  }
0x86: {  	_ =	shalt  }
0x87: {  	_ =	shalt  }
.Lfunc_end0:
.L_simem_size_0:
called_computation_lowered:
.L_overlay_start_0:
0x88: {  	s2 =	sld [smem:$0x3FD9]  }
0x89: {  	s3 =	sld [smem:$0x3FFE];
	_ =	sdelay $0x1  }
0x8a: {  	s1 =	srdreg.scid  }
0x8b: {  	s0 =	sand.u32 $0x1, s1  }
0x8c: {  	s14 =	sshll.u32 s0, $0xA;
	s2 =	sadd.s32 s3, s2  }
0x8d: {  	s2 =	sadd.s32 s2, s14  }
0x8e: {  	[smem:$0x3FC6] =	sst s2  }
0x8f: {  	_ = 	snop  }
0x90: {  	s2 =	sld [smem:$0x3FD0];
	_ =	sdelay $0x2  }
0x91: {  	s4 =	simm.s32 $0xA;
	s5 =	simm.s32 $0x10;
	s15 =	sld [smem:$0x3FC9]  }
0x92: {  	[smem:s5], [sflag:s4] =	dma.local [hbm:s2], $0x1  }
0x93: {  	_ =	swait.eq [sflag:s4], $0x1  }
0x94: {  	[sflag:s4] =	ssyncset.done $0x0  }
0x95: {  	s16 =	sld [smem:$0x10];
	[sflag:s4] =	ssyncadd.s32 $0xFFFFFFFF  }
0x96: {  	s17 =	sld [smem:$0x11];
	(tm) =	ssettm $0x1  }
0x97: {  	s18 =	sld [smem:$0x3FFB];
	_ =	sdelay $0x3  }
0x98: {  	_ =	strace s18  }
0x99: {  	s5 =	sld [smem:$0x3FFC];
	_ =	sdelay $0x3  }
0x9a: {  	_ =	strace s5  }
0x9b: {  	s5 =	sld [smem:$0x3FFD];
	_ =	sdelay $0x3  }
0x9c: {  	_ =	strace s5  }
0x9d: {  	_ =	strace $0x8FFFFFFF  }
0x9e: {  	s19 =	sld [smem:$0x3FDB];
	_ =	sdelay $0x1  }
0x9f: {  	s6 =	simm.s32 $_scs_section_size  }
0xa0: {  	s7 =	simm.s32 $_size__tile_overlayer_lowered;
	s8 =	simm.s32 $_tile_overlayer_lowered  }
0xa1: {  	s22 =	simm.s32 $0x1BFF;
	s21 =	sshll.u32 s8, $0x1;
	s5 =	sadd.s32 s6, s19  }
0xa2: {  	s9 =	simm.s32 $0x0;
	s20 =	sshll.u32 s7, $0x1;
	s7 =	sadd.s32 s21, s5  }
0xa3: {  	[timem:s9], [sflag:s22] =	dma.local [hbm:s7], s20  }
0xa4: {  	_ =	swait.ge [sflag:s22], s20  }
0xa5: {  	s6 =	ssub.s32 $0x0, s20;
	[sflag:s22] =	ssyncset.done $0x0  }
0xa6: {  	[sflag:s22] =	ssyncadd.s32 s6;
	_ =	sdelay $0x1  }
0xa7: {  	s23 =	simm.s32 $0x1B8B  }
0xa8: {  	_ =	swait.ge [sflag:s23], $0x1  }
0xa9: {  	[sflag:s23] =	ssyncset.done $0x0  }
0xaa: {  	s25 =	simm.s32 $0x1B8E;
	s24 =	sld [smem:$0x3FFE];
	[sflag:s23] =	ssyncadd.s32 $0xFFFFFFFF  }
0xab: {  	s26 =	simm.s32 $execute0_lowered;
	[smem:$0x3FD2] =	sst s25  }
0xac: {  	s7 =	sshll.u32 s26, $0x1;
	_ =	strace $0x80000046;
	[dreg:$0x1] =	wrdreg $0xFFFFFFFF  }
0xad: {  	s28 =	simm.s32 $_size_execute0_lowered;
	s5 =	sadd.s32 s5, s7;
	[dreg:$0x0] =	wrdreg $0x0  }
0xae: {  	s7 =	sshll.u32 s28, $0x1;
	[dreg:$0x2] =	wrdreg s5  }
0xaf: {  	[dreg:$0x3] =	wrdreg s7  }
0xb0: {  	[dreg:$0x4] =	wrdreg $0xC0  }
0xb1: {  	_ =	task [dreg:s9], $0x5FFFF  }
0xb2: {  	[dreg:$0x1] =	wrdreg $0xFFFFFFFF  }
0xb3: {  	[dreg:$0x0] =	wrdreg $0x60  }
0xb4: {  	[dreg:$0x2] =	wrdreg s15  }
0xb5: {  	[dreg:$0x3] =	wrdreg s24  }
0xb6: {  	[dreg:$0x4] =	wrdreg s16  }
0xb7: {  	[dreg:$0x5] =	wrdreg s17  }
0xb8: {  	[dreg:$0x6] =	wrdreg $0x9  }
0xb9: {  	_ =	task.clear_ibuf [dreg:s9], $0x7FFFF;
	_ =	strace $0x90000046  }
0xba: {  	s29 =	simm.s32 $0x9;
	_ =	strace $0x80000048  }
0xbb: {  	_ =	swait.ge [sflag:s29], $0x1  }
0xbc: {  	[sflag:s29] =	ssyncadd.s32 $0xFFFFFFFF  }
0xbd: {  	_ =	strace $0x90000048  }
0xbe: {  	_ =	sfence  }
0xbf: {  	s30 =	sld [smem:$0x0];
	_ =	sdelay $0x2  }
0xc0: {  	s31 =	sshll.u32 s1, $0xD;
	s1 =	sshrl.u32 s1, $0x2  }
0xc1: {  	s3 =	sand.u32 $0x4000, s31;
	s1 =	sadd.s32 s1, s30  }
0xc2: {  	s0 =	sor.u32 s3, s0;
	s1 =	sshll.u32 s1, $0x11  }
0xc3: {  	s0 =	sor.u32 s1, s0  }
0xc4: {  	s0 =	sadd.s32 $0x8F2B, s0  }
0xc5: {  	[sflag:s0] =	ssyncadd.remote.s32 $0x1  }
0xc6: {  	_ =	sfence.sel $0xFFFF  }
0xc7: {  	[dreg:$0x0] =	wrdreg $0xFFFFFFFF;
	(pc) =	sbr.abs _section_cstart, $3  }
0xc8: {  	[dreg:$0x1] =	wrdreg $0xFFFFFFFF  }
0xc9: {  	_ =	task.clear_ibuf [dreg:s9], $0x2FFFF;
	_ =	strace $0x9FFFFFFF  }
0xca: {  	(tm) =	ssettm $0x7FFFFFFF  }
0xcb: {  	_ =	shalt  }
tec
execute0_lowered:
.L_overlay_start_1:
0x0: {  	(tag) =	ssettag $0x1  }
0x1: {  	s0 =	rddreg [dreg:$0x0]  }
0x2: {  	s1 =	rddreg [dreg:$0x1]  }
0x3: {  	s17 =	rddreg [dreg:$0x2]  }
0x4: {  	s6 =	rddreg [dreg:$0x3]  }
0x5: {  	s2 =	srdreg.scid;
	s3 =	stileid.u32;
	s4 =	simm.s32 $0x0  }
0x6: {  	s2 =	sand.u32 $0x1, s2;
	[smem:$0x7FF] =	sst s4;
	s1 =	sadd.s32 $0x800, s1  }
0x7: {  	s20 =	sadd.s32 $0x100000, s17;
	_ =	strace $0x80000047;
	[dreg:$0x6] =	wrdreg s1  }
0x8: {  	s3 =	sshll.u32 s3, $0x10;
	s22 =	sadd.s32 $0x100800, s17;
	[dreg:$0x9] =	wrdreg s20  }
0x9: {  	s23 =	sadd.s32 $0x10, s6;
	s31 =	sadd.s32 $0x20, s6;
	[dreg:$0xd] =	wrdreg s22  }
0xa: {  	s5 =	sshll.u32 s2, $0xF;
	s2 =	ssub.s32 $0x2, s2;
	[dreg:$0xa] =	wrdreg s23  }
0xb: {  	[dreg:$0xb] =	wrdreg s31;
	s5 =	sor.u32 s5, s3;
	s16 =	sshrl.u32 s2, $0x1  }
0xc: {  	[dreg:$0x5] =	wrdreg s5;
	s5 =	sadd.s32 s5, s0;
	s0 =	sadd.s32 $0x100860, s0  }
0xd: {  	s18 =	ssub.s32 s2, s16;
	[dreg:$0x8] =	wrdreg s0;
	s21 =	sadd.s32 $0x101060, s5  }
0xe: {  	s24 =	smax.u32 s18, $0x1;
	[dreg:$0xc] =	wrdreg s21  }
0xf: {  	s19 =	sadd.s32 $0x100060, s5;
	[dreg:$0xe] =	wrdreg s24  }
0x10: {  	s25 =	sadd.s32 $0x80, s19;
	[dreg:$0x7] =	wrdreg s19  }
0x11: {  	s26 =	sadd.s32 $0x100, s19;
	[dreg:$0xf] =	wrdreg s25  }
0x12: {  	s28 =	sadd.s32 $0x180, s19;
	[dreg:$0x10] =	wrdreg s26  }
0x13: {  	s29 =	sadd.s32 $0x200, s19;
	[dreg:$0x11] =	wrdreg s28  }
0x14: {  	s15 =	simm.s32 $0x1000;
	s30 =	sadd.s32 $0x280, s19;
	[dreg:$0x12] =	wrdreg s29  }
0x15: {  	s1 =	simm.s32 $0x0;
	[dreg:$0x13] =	wrdreg s30;
	s25 =	simm.s32 $0x4  }
.LBB2_1:
0x16: {  	[dreg:$0x14] =	wrdreg s1  }
0x17: {  	s0 =	rddreg [dreg:$0x6];
	s24 =	simm.s32 $0x5  }
0x18: {  	[tilespmem:s15], [sflag:$0x5] =	stream.linear.gather [hbm4b:s0+s4], $0x2F00, $0x38;
	[tilespmem:$0x13F00] =	vst v63  }
0x19: {  	_ =	swait.ge [sflag:s24], $0x2F00  }
0x1a: {  	[sflag:s24] =	ssyncset.done $0x0  }
0x1b: {  	s1 =	rddreg [dreg:$0x7];
	[sflag:s24] =	ssyncadd.s32 $0xFFFFD100  }
0x1c: {  	[tilespmem:s4], [sflag:$0x1] =	stream.linear.gather [hbm4b:s1+s4], $0x80, $0x38;
	[tilespmem:$0x13F00] =	vst v63  }
0x1d: {  	s2 =	simm.s32 $0x100;
	s26 =	rddreg [dreg:$0xf]  }
0x1e: {  	[tilespmem:s2], [sflag:$0x1] =	stream.linear.gather [hbm4b:s26+s4], $0x80, $0x38;
	[tilespmem:$0x13F00] =	vst v63  }
0x1f: {  	s29 =	simm.s32 $0x200;
	s28 =	rddreg [dreg:$0x10]  }
0x20: {  	[tilespmem:s29], [sflag:$0x1] =	stream.linear.gather [hbm4b:s28+s4], $0x80, $0x38;
	[tilespmem:$0x13F00] =	vst v63  }
0x21: {  	s31 =	simm.s32 $0x300;
	s30 =	rddreg [dreg:$0x11]  }
0x22: {  	[tilespmem:s31], [sflag:$0x1] =	stream.linear.gather [hbm4b:s30+s4], $0x80, $0x38;
	[tilespmem:$0x13F00] =	vst v63  }
0x23: {  	s5 =	simm.s32 $0x400;
	s3 =	rddreg [dreg:$0x12]  }
0x24: {  	[tilespmem:s5], [sflag:$0x1] =	stream.linear.gather [hbm4b:s3+s4], $0x80, $0x38;
	[tilespmem:$0x13F00] =	vst v63  }
0x25: {  	s7 =	simm.s32 $0x500;
	s6 =	rddreg [dreg:$0x13]  }
0x26: {  	[tilespmem:s7], [sflag:$0x1] =	stream.linear.gather [hbm4b:s6+s4], $0x80, $0x38;
	[tilespmem:$0x13F00] =	vst v63  }
0x27: {  	s9 =	simm.s32 $0x600;
	s8 =	sadd.s32 $0x300, s1  }
0x28: {  	[tilespmem:s9], [sflag:$0x1] =	stream.linear.gather [hbm4b:s8+s4], $0x80, $0x38;
	[tilespmem:$0x13F00] =	vst v63  }
0x29: {  	s11 =	simm.s32 $0x700;
	s10 =	sadd.s32 $0x380, s1  }
0x2a: {  	[tilespmem:s11], [sflag:$0x1] =	stream.linear.gather [hbm4b:s10+s4], $0x80, $0x38;
	[tilespmem:$0x13F00] =	vst v63  }
0x2b: {  	s13 =	simm.s32 $0x800;
	s12 =	sadd.s32 $0x400, s1  }
0x2c: {  	[tilespmem:s13], [sflag:$0x1] =	stream.linear.gather [hbm4b:s12+s4], $0x80, $0x38;
	[tilespmem:$0x13F00] =	vst v63  }
0x2d: {  	s16 =	simm.s32 $0x900;
	s14 =	sadd.s32 $0x480, s1  }
0x2e: {  	[tilespmem:s16], [sflag:$0x1] =	stream.linear.gather [hbm4b:s14+s4], $0x80, $0x38;
	[tilespmem:$0x13F00] =	vst v63  }
0x2f: {  	s19 =	simm.s32 $0xA00;
	s18 =	sadd.s32 $0x500, s1  }
0x30: {  	[tilespmem:s19], [sflag:$0x1] =	stream.linear.gather [hbm4b:s18+s4], $0x80, $0x38;
	[tilespmem:$0x13F00] =	vst v63  }
0x31: {  	s21 =	simm.s32 $0xB00;
	s20 =	sadd.s32 $0x580, s1  }
0x32: {  	[tilespmem:s21], [sflag:$0x1] =	stream.linear.gather [hbm4b:s20+s4], $0x80, $0x38;
	[tilespmem:$0x13F00] =	vst v63  }
0x33: {  	s23 =	simm.s32 $0xC00;
	s22 =	sadd.s32 $0x600, s1  }
0x34: {  	[tilespmem:s23], [sflag:$0x1] =	stream.linear.gather [hbm4b:s22+s4], $0x80, $0x38;
	[tilespmem:$0x13F00] =	vst v63  }
0x35: {  	s24 =	sadd.s32 $0x680, s1;
	s26 =	simm.s32 $0xD00  }
0x36: {  	[tilespmem:s26], [sflag:$0x1] =	stream.linear.gather [hbm4b:s24+s4], $0x80, $0x38;
	[tilespmem:$0x13F00] =	vst v63  }
0x37: {  	s28 =	sadd.s32 $0x700, s1;
	s29 =	simm.s32 $0xE00  }
0x38: {  	[tilespmem:s29], [sflag:$0x1] =	stream.linear.gather [hbm4b:s28+s4], $0x80, $0x38;
	[tilespmem:$0x13F00] =	vst v63  }
0x39: {  	s30 =	sadd.s32 $0x780, s1;
	s31 =	simm.s32 $0xF00;
	s1 =	simm.s32 $0x0  }
0x3a: {  	[tilespmem:s31], [sflag:$0x1] =	stream.linear.gather [hbm4b:s30+s4], $0x80, $0x38;
	[tilespmem:$0x13F00] =	vst v63  }
.LBB2_2:
0x3b: {  	s19 =	sshll.u32 s1, $0xC;
	s11 =	rddreg [dreg:$0x5]  }
0x3c: {  	s0 =	rddreg [dreg:$0x8];
	s13 =	sadd.s32 s11, s19  }
0x3d: {  	s2 =	simm.s32 $0x80;
	s0 =	sadd.s32 s13, s0  }
0x3e: {  	[tilespmem:s2], [sflag:$0x2] =	stream.linear.gather [hbm4b:s0+s4], $0x80, $0x38;
	[tilespmem:$0x13F00] =	vst v63  }
0x3f: {  	s3 =	simm.s32 $0x180;
	s18 =	sadd.s32 $0x80, s0  }
0x40: {  	[tilespmem:s3], [sflag:$0x2] =	stream.linear.gather [hbm4b:s18+s4], $0x80, $0x38;
	[tilespmem:$0x13F00] =	vst v63  }
0x41: {  	s21 =	simm.s32 $0x280;
	s20 =	sadd.s32 $0x100, s0  }
0x42: {  	[tilespmem:s21], [sflag:$0x2] =	stream.linear.gather [hbm4b:s20+s4], $0x80, $0x38;
	[tilespmem:$0x13F00] =	vst v63  }
0x43: {  	s23 =	simm.s32 $0x380;
	s22 =	sadd.s32 $0x180, s0  }
0x44: {  	[tilespmem:s23], [sflag:$0x2] =	stream.linear.gather [hbm4b:s22+s4], $0x80, $0x38;
	[tilespmem:$0x13F00] =	vst v63  }
0x45: {  	s26 =	simm.s32 $0x480;
	s24 =	sadd.s32 $0x200, s0  }
0x46: {  	[tilespmem:s26], [sflag:$0x2] =	stream.linear.gather [hbm4b:s24+s4], $0x80, $0x38;
	[tilespmem:$0x13F00] =	vst v63  }
0x47: {  	s7 =	simm.s32 $0x580;
	s5 =	sadd.s32 $0x280, s0  }
0x48: {  	[tilespmem:s7], [sflag:$0x2] =	stream.linear.gather [hbm4b:s5+s4], $0x80, $0x38;
	[tilespmem:$0x13F00] =	vst v63  }
0x49: {  	s9 =	simm.s32 $0x680;
	s8 =	sadd.s32 $0x300, s0  }
0x4a: {  	[tilespmem:s9], [sflag:$0x2] =	stream.linear.gather [hbm4b:s8+s4], $0x80, $0x38;
	[tilespmem:$0x13F00] =	vst v63  }
0x4b: {  	s12 =	simm.s32 $0x780;
	s10 =	sadd.s32 $0x380, s0  }
0x4c: {  	[tilespmem:s12], [sflag:$0x2] =	stream.linear.gather [hbm4b:s10+s4], $0x80, $0x38;
	[tilespmem:$0x13F00] =	vst v63  }
0x4d: {  	s16 =	simm.s32 $0x880;
	s14 =	sadd.s32 $0x400, s0  }
0x4e: {  	[tilespmem:s16], [sflag:$0x2] =	stream.linear.gather [hbm4b:s14+s4], $0x80, $0x38;
	[tilespmem:$0x13F00] =	vst v63  }
0x4f: {  	s6 =	smov.u32 s17;
	s17 =	sadd.s32 $0x480, s0;
	s18 =	simm.s32 $0x980  }
0x50: {  	[tilespmem:s18], [sflag:$0x2] =	stream.linear.gather [hbm4b:s17+s4], $0x80, $0x38;
	[tilespmem:$0x13F00] =	vst v63  }
0x51: {  	s20 =	sadd.s32 $0x500, s0;
	s21 =	simm.s32 $0xA80  }
0x52: {  	[tilespmem:s21], [sflag:$0x2] =	stream.linear.gather [hbm4b:s20+s4], $0x80, $0x38;
	[tilespmem:$0x13F00] =	vst v63  }
0x53: {  	s22 =	sadd.s32 $0x580, s0;
	s23 =	simm.s32 $0xB80  }
0x54: {  	[tilespmem:s23], [sflag:$0x2] =	stream.linear.gather [hbm4b:s22+s4], $0x80, $0x38;
	[tilespmem:$0x13F00] =	vst v63  }
0x55: {  	s24 =	sadd.s32 $0x600, s0;
	s26 =	simm.s32 $0xC80  }
0x56: {  	[tilespmem:s26], [sflag:$0x2] =	stream.linear.gather [hbm4b:s24+s4], $0x80, $0x38;
	[tilespmem:$0x13F00] =	vst v63  }
0x57: {  	s3 =	sadd.s32 $0x680, s0;
	s5 =	simm.s32 $0xD80  }
0x58: {  	[tilespmem:s5], [sflag:$0x2] =	stream.linear.gather [hbm4b:s3+s4], $0x80, $0x38;
	[tilespmem:$0x13F00] =	vst v63  }
0x59: {  	s7 =	sadd.s32 $0x700, s0;
	s8 =	simm.s32 $0xE80  }
0x5a: {  	[tilespmem:s8], [sflag:$0x2] =	stream.linear.gather [hbm4b:s7+s4], $0x80, $0x38;
	[tilespmem:$0x13F00] =	vst v63  }
0x5b: {  	s0 =	sadd.s32 $0x780, s0;
	s9 =	simm.s32 $0xF80;
	s10 =	simm.s32 $0x1  }
0x5c: {  	[tilespmem:s9], [sflag:$0x2] =	stream.linear.gather [hbm4b:s0+s4], $0x80, $0x38;
	[tilespmem:$0x13F00] =	vst v63  }
0x5d: {  	_ =	swait.ge [sflag:s10], $0x800  }
0x5e: {  	p0 =	seq.s32 s1, $0x0;
	[sflag:s10] =	ssyncset.done $0x0  }
0x5f: {  	s2 =	simm.s32 @!p0 $0x3;
	[sflag:s10] =	ssyncadd.s32 $0xFFFFF800  }
0x60: {  	_ =	swait.ge @!p0 [sflag:s2], $0x4000  }
0x61: {  	[sflag:s2] =	ssyncset.done @!p0 $0x0  }
0x62: {  	[sflag:s2] =	ssyncadd.s32 @!p0 $0xFFFFC000  }
0x63: {  	_ =	swait.ge @!p0 [sflag:s2], $0x800  }
0x64: {  	[sflag:s2] =	ssyncset.done @!p0 $0x0  }
0x65: {  	[sflag:s2] =	ssyncadd.s32 @!p0 $0xFFFFF800  }
0x66: {  	_ =	swait.ge @!p0 [sflag:s2], $0x800  }
0x67: {  	[sflag:s2] =	ssyncset.done @!p0 $0x0  }
0x68: {  	[sflag:s2] =	ssyncadd.s32 @!p0 $0xFFFFF800  }
0x69: {  	_ =	swait.ge @!p0 [sflag:s2], $0x800  }
0x6a: {  	[sflag:s2] =	ssyncset.done @!p0 $0x0  }
0x6b: {  	s12 =	simm.s32 $0x0;
	[sflag:s2] =	ssyncadd.s32 @!p0 $0xFFFFF800  }
0x6c: {  	s28 =	sand.u32 $0x3C00, s12;
	s0 =	sand.u32 $0x60, s12;
	_ =	swait.ge @!p0 [sflag:s2], $0x800  }
0x6d: {  	s3 =	sshrl.u32 s28, $0x2;
	s17 =	sor.u32 $0x10, s0;
	[sflag:s2] =	ssyncset.done @!p0 $0x0  }
0x6e: {  	s14 =	sor.u32 s17, s3;
	[sflag:s2] =	ssyncadd.s32 @!p0 $0xFFFFF800  }
0x6f: {  	s3 =	sor.u32 s0, s3;
	v0 =	vld [tilespmem:s14+$0x0]  }
0x70: {  	v1 =	vld [tilespmem:s3+$0x0];
	_ =	sdelay $0x3  }
0x71: {  	v0 =	vadd.f32 $5.000000000e-01, v0  }
0x72: {  	v1 =	vadd.f32 $5.000000000e-01, v1  }
0x73: {  	v0 =	vtrunc.f32 v0  }
0x74: {  	v1 =	vtrunc.f32 v1;
	v4 =	vcvt.f32.s32 v0  }
0x75: {  	v3 =	vcvt.f32.s32 v1;
	_ =	sdelay $0x4  }
0x76: {  	v0 =	vld.idx.msk [tilespmem:v4+s15+$0x0], $0xffff  }
0x77: {  	v2 =	vadd.s32 $0x3E8, v4;
	v1 =	vld.idx.msk [tilespmem:v3+s15+$0x0], $0xffff  }
0x78: {  	v5 =	vadd.s32 $0x3E8, v3  }
0x79: {  	s16 =	sadd.s32 $0x3F00, s28  }
0x7a: {  	s18 =	simm.s32 $0x20;
	s7 =	simm.s32 $0x100;
	s5 =	sor.u32 s17, s16  }
0x7b: {  	s7 =	sand.u32 $0x3C00, s7;
	s12 =	sand.u32 $0x60, s18;
	s8 =	sor.u32 s0, s16;
	[tilespmem:s5+$0x0] =	vst v0  }
0x7c: {  	s20 =	sshrl.u32 s7, $0x2;
	s16 =	sor.u32 $0x10, s12;
	[tilespmem:s8+$0x0] =	vst v1;
	v0 =	vld.idx.msk [tilespmem:v2+s15+$0x0], $0xffff  }
0x7d: {  	s21 =	sor.u32 s16, s20;
	v1 =	vld.idx.msk [tilespmem:v5+s15+$0x0], $0xffff;
	v2 =	vadd.s32 $0x7D0, v4  }
0x7e: {  	s2 =	sor.u32 s12, s20;
	v5 =	vld [tilespmem:s21+$0x0]  }
0x7f: {  	v6 =	vld [tilespmem:s2+$0x0]  }
0x80: {  	v7 =	vadd.s32 $0x7D0, v3  }
0x81: {  	[tilespmem:s5+$0x80] =	vst v0  }
0x82: {  	v2 =	vld.idx.msk [tilespmem:v2+s15+$0x0], $0xffff  }
0x83: {  	v8 =	vadd.s32 $0xBB8, v4;
	v0 =	vadd.f32 $5.000000000e-01, v5  }
0x84: {  	[tilespmem:s8+$0x80] =	vst v1;
	v1 =	vadd.f32 $5.000000000e-01, v6  }
0x85: {  	v5 =	vld.idx.msk [tilespmem:v7+s15+$0x0], $0xffff;
	v0 =	vtrunc.f32 v0  }
0x86: {  	v6 =	vadd.s32 $0xBB8, v3;
	v1 =	vtrunc.f32 v1;
	v0 =	vcvt.f32.s32 v0  }
0x87: {  	v7 =	vcvt.f32.s32 v1;
	[tilespmem:s5+$0x100] =	vst v2  }
0x88: {  	v1 =	vld.idx.msk [tilespmem:v8+s15+$0x0], $0xffff  }
0x89: {  	v2 =	vadd.s32 $0xFA0, v4  }
0x8a: {  	[tilespmem:s8+$0x100] =	vst v5  }
0x8b: {  	v5 =	vld.idx.msk [tilespmem:v6+s15+$0x0], $0xffff  }
0x8c: {  	s10 =	simm.s32 $0x200;
	v6 =	vadd.s32 $0xFA0, v3;
	v8 =	vld.idx.msk [tilespmem:v0+s15+$0x0], $0xffff  }
0x8d: {  	s9 =	simm.s32 $0x40;
	s21 =	sand.u32 $0x3C00, s10;
	v9 =	vld.idx.msk [tilespmem:v7+s15+$0x0], $0xffff;
	[tilespmem:s5+$0x180] =	vst v1;
	v1 =	vadd.s32 $0x3E8, v0  }
0x8e: {  	s20 =	sand.u32 $0x60, s9;
	s23 =	sshrl.u32 s21, $0x2;
	v10 =	vadd.s32 $0x3E8, v7;
	v2 =	vld.idx.msk [tilespmem:v2+s15+$0x0], $0xffff  }
0x8f: {  	s22 =	sadd.s32 $0x3F00, s7;
	s9 =	sor.u32 s20, s23  }
0x90: {  	s3 =	sor.u32 s16, s22;
	v11 =	vadd.s32 $0x1388, v4;
	v12 =	vld [tilespmem:s9+$0x0];
	[tilespmem:s8+$0x180] =	vst v5  }
0x91: {  	s2 =	sor.u32 s12, s22;
	v5 =	vld.idx.msk [tilespmem:v6+s15+$0x0], $0xffff;
	[tilespmem:s3+$0x0] =	vst v8  }
0x92: {  	s18 =	sor.u32 $0x10, s20;
	[tilespmem:s2+$0x0] =	vst v9;
	v1 =	vld.idx.msk [tilespmem:v1+s15+$0x0], $0xffff  }
0x93: {  	s24 =	sor.u32 s18, s23;
	v6 =	vld.idx.msk [tilespmem:v10+s15+$0x0], $0xffff;
	[tilespmem:s5+$0x200] =	vst v2;
	v2 =	vadd.s32 $0x7D0, v0  }
0x94: {  	v9 =	vadd.s32 $0x1388, v3;
	v10 =	vld [tilespmem:s24+$0x0]  }
0x95: {  	v8 =	vld.idx.msk [tilespmem:v11+s15+$0x0], $0xffff;
	v11 =	vadd.s32 $0x7D0, v7  }
0x96: {  	v13 =	vadd.s32 $0x1770, v4  }
0x97: {  	[tilespmem:s3+$0x80] =	vst v1  }
0x98: {  	[tilespmem:s8+$0x200] =	vst v5;
	v2 =	vld.idx.msk [tilespmem:v2+s15+$0x0], $0xffff  }
0x99: {  	v5 =	vld.idx.msk [tilespmem:v9+s15+$0x0], $0xffff;
	[tilespmem:s2+$0x80] =	vst v6;
	v6 =	vadd.s32 $0xBB8, v0;
	v1 =	vadd.f32 $5.000000000e-01, v10  }
0x9a: {  	v9 =	vadd.s32 $0x1770, v3;
	v10 =	vld.idx.msk [tilespmem:v11+s15+$0x0], $0xffff;
	[tilespmem:s5+$0x280] =	vst v8;
	v8 =	vadd.f32 $5.000000000e-01, v12  }
0x9b: {  	v11 =	vadd.s32 $0xBB8, v7;
	v1 =	vtrunc.f32 v1;
	v12 =	vld.idx.msk [tilespmem:v13+s15+$0x0], $0xffff  }
0x9c: {  	v13 =	vadd.s32 $0x1B58, v4;
	v1 =	vcvt.f32.s32 v1;
	v8 =	vtrunc.f32 v8  }
0x9d: {  	v8 =	vcvt.f32.s32 v8;
	[tilespmem:s3+$0x100] =	vst v2  }
0x9e: {  	[tilespmem:s8+$0x280] =	vst v5;
	v2 =	vld.idx.msk [tilespmem:v6+s15+$0x0], $0xffff  }
0x9f: {  	v5 =	vld.idx.msk [tilespmem:v9+s15+$0x0], $0xffff;
	[tilespmem:s2+$0x100] =	vst v10;
	v6 =	vadd.s32 $0xFA0, v0  }
0xa0: {  	v9 =	vadd.s32 $0x1B58, v3;
	v10 =	vld.idx.msk [tilespmem:v11+s15+$0x0], $0xffff;
	[tilespmem:s5+$0x300] =	vst v12  }
0xa1: {  	v11 =	vadd.s32 $0xFA0, v7;
	v12 =	vld.idx.msk [tilespmem:v13+s15+$0x0], $0xffff  }
0xa2: {  	v13 =	vadd.s32 $0x1F40, v4;
	v14 =	vld.idx.msk [tilespmem:v1+s15+$0x0], $0xffff  }
0xa3: {  	v15 =	vld.idx.msk [tilespmem:v8+s15+$0x0], $0xffff;
	[tilespmem:s3+$0x180] =	vst v2;
	v2 =	vadd.s32 $0x3E8, v1  }
0xa4: {  	v16 =	vadd.s32 $0x3E8, v8;
	[tilespmem:s8+$0x300] =	vst v5;
	v5 =	vld.idx.msk [tilespmem:v6+s15+$0x0], $0xffff  }
0xa5: {  	s26 =	sadd.s32 $0x3F00, s21;
	v6 =	vld.idx.msk [tilespmem:v9+s15+$0x0], $0xffff;
	[tilespmem:s2+$0x180] =	vst v10  }
0xa6: {  	s31 =	simm.s32 $0x300;
	s10 =	simm.s32 $0x60;
	s30 =	sor.u32 s18, s26;
	v9 =	vadd.s32 $0x1388, v0;
	v10 =	vld.idx.msk [tilespmem:v11+s15+$0x0], $0xffff;
	[tilespmem:s5+$0x380] =	vst v12  }
0xa7: {  	s22 =	sand.u32 $0x60, s10;
	s29 =	sor.u32 s20, s26;
	s26 =	sand.u32 $0x3C00, s31;
	[tilespmem:s30+$0x0] =	vst v14;
	v12 =	vld.idx.msk [tilespmem:v13+s15+$0x0], $0xffff  }
0xa8: {  	s24 =	sor.u32 $0x10, s22;
	v11 =	vadd.s32 $0x1388, v7;
	s5 =	sshrl.u32 s26, $0x2;
	[tilespmem:s29+$0x0] =	vst v15;
	v2 =	vld.idx.msk [tilespmem:v2+s15+$0x0], $0xffff  }
0xa9: {  	v13 =	vadd.s32 $0x2328, v4;
	s14 =	sor.u32 s24, s5;
	s5 =	sor.u32 s22, s5;
	v14 =	vld.idx.msk [tilespmem:v16+s15+$0x0], $0xffff;
	[tilespmem:s3+$0x200] =	vst v5  }
0xaa: {  	s9 =	sadd.s32 $0x7F00, s28;
	v5 =	vadd.s32 $0x1F40, v3;
	[tilespmem:s8+$0x380] =	vst v6;
	v6 =	vld [tilespmem:s5+$0x0]  }
0xab: {  	s23 =	sor.u32 s17, s9;
	v15 =	vadd.s32 $0x7D0, v1;
	v9 =	vld.idx.msk [tilespmem:v9+s15+$0x0], $0xffff;
	[tilespmem:s2+$0x200] =	vst v10  }
0xac: {  	v10 =	vld [tilespmem:s14+$0x0];
	[tilespmem:s23+$0x0] =	vst v12;
	v12 =	vadd.s32 $0x7D0, v8  }
0xad: {  	v16 =	vadd.s32 $0x1770, v0;
	v11 =	vld.idx.msk [tilespmem:v11+s15+$0x0], $0xffff  }
0xae: {  	v17 =	vadd.s32 $0x1770, v7;
	v13 =	vld.idx.msk [tilespmem:v13+s15+$0x0], $0xffff  }
0xaf: {  	[tilespmem:s30+$0x80] =	vst v2;
	v2 =	vadd.s32 $0x2710, v4;
	v5 =	vld.idx.msk [tilespmem:v5+s15+$0x0], $0xffff  }
0xb0: {  	v18 =	vadd.s32 $0x2328, v3;
	[tilespmem:s29+$0x80] =	vst v14;
	v14 =	vld.idx.msk [tilespmem:v15+s15+$0x0], $0xffff  }
0xb1: {  	s10 =	sadd.s32 $0x7F80, s28;
	v6 =	vadd.f32 $5.000000000e-01, v6;
	[tilespmem:s3+$0x280] =	vst v9;
	v9 =	vadd.s32 $0xBB8, v1;
	v12 =	vld.idx.msk [tilespmem:v12+s15+$0x0], $0xffff  }
0xb2: {  	s14 =	sor.u32 s17, s10;
	v15 =	vadd.s32 $0xBB8, v8;
	[tilespmem:s2+$0x280] =	vst v11;
	v11 =	vld.idx.msk [tilespmem:v16+s15+$0x0], $0xffff  }
0xb3: {  	s9 =	sor.u32 s0, s9;
	v10 =	vadd.f32 $5.000000000e-01, v10;
	v6 =	vtrunc.f32 v6;
	v16 =	vld.idx.msk [tilespmem:v17+s15+$0x0], $0xffff;
	[tilespmem:s14+$0x0] =	vst v13;
	v13 =	vadd.s32 $0x1B58, v0  }
0xb4: {  	v17 =	vadd.s32 $0x1B58, v7;
	v30 =	vcvt.f32.s32 v6;
	[tilespmem:s9+$0x0] =	vst v5;
	v5 =	vld.idx.msk [tilespmem:v2+s15+$0x0], $0xffff  }
0xb5: {  	v2 =	vtrunc.f32 v10;
	[tilespmem:s30+$0x100] =	vst v14;
	v10 =	vld.idx.msk [tilespmem:v18+s15+$0x0], $0xffff  }
0xb6: {  	v4 =	vadd.s32 $0x2AF8, v4;
	v2 =	vcvt.f32.s32 v2;
	[tilespmem:s29+$0x100] =	vst v12;
	v12 =	vld.idx.msk [tilespmem:v9+s15+$0x0], $0xffff  }
0xb7: {  	s8 =	sor.u32 $0x8000, s28;
	[tilespmem:s3+$0x300] =	vst v11;
	v14 =	vld.idx.msk [tilespmem:v15+s15+$0x0], $0xffff  }
0xb8: {  	s23 =	sor.u32 s17, s8;
	v11 =	vadd.s32 $0xFA0, v1;
	[tilespmem:s2+$0x300] =	vst v16;
	v16 =	vld.idx.msk [tilespmem:v13+s15+$0x0], $0xffff  }
0xb9: {  	s5 =	sor.u32 s0, s10;
	v18 =	vadd.s32 $0xFA0, v8;
	v21 =	vld.idx.msk [tilespmem:v17+s15+$0x0], $0xffff;
	[tilespmem:s23+$0x0] =	vst v5  }
0xba: {  	v24 =	vadd.s32 $0x1F40, v0;
	v33 =	vld.idx.msk [tilespmem:v30+s15+$0x0], $0xffff;
	[tilespmem:s5+$0x0] =	vst v10  }
0xbb: {  	v22 =	vadd.s32 $0x2710, v3;
	v25 =	vadd.s32 $0x1F40, v7;
	v6 =	vadd.s32 $0x2AF8, v3;
	v31 =	vld.idx.msk [tilespmem:v4+s15+$0x0], $0xffff;
	[tilespmem:s30+$0x180] =	vst v12  }
0xbc: {  	v3 =	vadd.s32 $0x2AF8, v7;
	v27 =	vadd.s32 $0x3E8, v30;
	v23 =	vadd.s32 $0x7D0, v30;
	v32 =	vld.idx.msk [tilespmem:v2+s15+$0x0], $0xffff;
	[tilespmem:s29+$0x180] =	vst v14  }
0xbd: {  	v20 =	vadd.s32 $0xBB8, v30;
	v19 =	vadd.s32 $0xFA0, v30;
	v9 =	vadd.s32 $0x2328, v7;
	v29 =	vld.idx.msk [tilespmem:v11+s15+$0x0], $0xffff;
	[tilespmem:s3+$0x380] =	vst v16  }
0xbe: {  	v15 =	vadd.s32 $0x1770, v8;
	v13 =	vadd.s32 $0x1B58, v8;
	v34 =	vadd.s32 $0x3E8, v2;
	v28 =	vld.idx.msk [tilespmem:v18+s15+$0x0], $0xffff;
	[tilespmem:s2+$0x380] =	vst v21  }
0xbf: {  	v17 =	vadd.s32 $0x1388, v8;
	v5 =	vadd.s32 $0x2710, v7;
	v7 =	vadd.s32 $0x2710, v8;
	s23 =	sor.u32 $0x800, s13;
	s5 =	sor.u32 $0x8080, s28;
	v26 =	vld.idx.msk [tilespmem:v24+s15+$0x0], $0xffff;
	[dreg:$0x15] =	wrdreg s13  }
0xc0: {  	v10 =	vadd.s32 $0x2328, v8;
	v4 =	vadd.s32 $0x2AF8, v8;
	v12 =	vadd.s32 $0x1F40, v8;
	s17 =	sor.u32 s17, s5;
	[dreg:$0x16] =	wrdreg s23  }
0xc1: {  	s10 =	sadd.s32 $0x3F00, s26;
	v8 =	vadd.s32 $0x2710, v30;
	v16 =	vadd.s32 $0x1B58, v30;
	[tilespmem:s17+$0x0] =	vst v31;
	v31 =	vadd.s32 $0x1388, v1  }
0xc2: {  	s14 =	sor.u32 s24, s10;
	v14 =	vadd.s32 $0x1F40, v30;
	v11 =	vadd.s32 $0x2AF8, v30;
	v24 =	vadd.s32 $0x1388, v30;
	v25 =	vld.idx.msk [tilespmem:v25+s15+$0x0], $0xffff  }
0xc3: {  	s28 =	sor.u32 s11, s19;
	s3 =	simm.s32 $0x6;
	v21 =	vadd.s32 $0x1770, v30;
	v18 =	vadd.s32 $0x2328, v30;
	v30 =	vadd.s32 $0x2328, v0;
	s23 =	sor.u32 s22, s10;
	v22 =	vld.idx.msk [tilespmem:v22+s15+$0x0], $0xffff;
	[tilespmem:s14+$0x0] =	vst v32  }
0xc4: {  	s2 =	sor.u32 s0, s8;
	s0 =	sor.u32 s0, s5;
	s8 =	simm.s32 $0x80;
	[tilespmem:s23+$0x0] =	vst v33;
	v32 =	vld.idx.msk [tilespmem:v34+s15+$0x0], $0xffff  }
.LBB2_3:
0xc5: {  	s9 =	sand.u32 $0x60, s8;
	v27 =	vld.idx.msk [tilespmem:v27+s15+$0x0], $0xffff;
	s31 =	sadd.s32 $0x100, s31;
	[tilespmem:s30+$0x200] =	vst v29;
	s5 =	sadd.s32 $0x7F00, s7  }
0xc6: {  	s3 =	sadd.s32 $0x2, s3;
	v29 =	vadd.s32 $0x7D0, v2;
	s13 =	sand.u32 $0x3C00, s31;
	[tilespmem:s29+$0x200] =	vst v28;
	v28 =	vld.idx.msk [tilespmem:v31+s15+$0x0], $0xffff;
	s10 =	sor.u32 s16, s5  }
0xc7: {  	s17 =	sor.u32 $0x10, s9;
	p1 =	slt.u32 s3, $0x7E;
	s11 =	sshrl.u32 s13, $0x2;
	v31 =	vld.idx.msk [tilespmem:v17+s15+$0x0], $0xffff;
	[tilespmem:s10+$0x0] =	vst v26;
	v17 =	vmov v24  }
0xc8: {  	s5 =	sor.u32 s12, s5;
	v24 =	vadd.s32 $0x1770, v1;
	s10 =	sor.u32 s9, s11;
	s11 =	sor.u32 s17, s11;
	v26 =	vld.idx.msk [tilespmem:v30+s15+$0x0], $0xffff  }
0xc9: {  	v30 =	vld [tilespmem:s11+$0x0];
	[tilespmem:s5+$0x0] =	vst v25;
	s5 =	smov.u32 s18;
	s18 =	smov.u32 s24;
	s24 =	smov.u32 s17  }
0xca: {  	v25 =	vld [tilespmem:s10+$0x0];
	[tilespmem:s14+$0x80] =	vst v32;
	v32 =	vadd.s32 $0x2710, v0;
	s10 =	smov.u32 s29;
	s29 =	smov.u32 s23;
	s23 =	smov.u32 s30  }
0xcb: {  	s30 =	smov.u32 s14;
	[tilespmem:s29+$0x80] =	vst v27;
	v27 =	vld.idx.msk [tilespmem:v29+s15+$0x0], $0xffff  }
0xcc: {  	s11 =	sadd.s32 $0x7F80, s7;
	v23 =	vld.idx.msk [tilespmem:v23+s15+$0x0], $0xffff;
	[tilespmem:s23+$0x280] =	vst v28  }
0xcd: {  	s14 =	sor.u32 s12, s11;
	s11 =	sor.u32 s16, s11;
	v28 =	vadd.s32 $0xBB8, v2;
	[tilespmem:s10+$0x280] =	vst v31;
	v24 =	vld.idx.msk [tilespmem:v24+s15+$0x0], $0xffff  }
0xce: {  	v29 =	vadd.f32 $5.000000000e-01, v30;
	v30 =	vld.idx.msk [tilespmem:v15+s15+$0x0], $0xffff;
	[tilespmem:s11+$0x0] =	vst v26;
	v15 =	vmov v21  }
0xcf: {  	v21 =	vadd.f32 $5.000000000e-01, v25;
	v25 =	vadd.s32 $0x1B58, v1;
	v26 =	vld.idx.msk [tilespmem:v32+s15+$0x0], $0xffff;
	[tilespmem:s2+$0x0] =	vst v22  }
0xd0: {  	v22 =	vtrunc.f32 v29;
	v29 =	vld.idx.msk [tilespmem:v9+s15+$0x0], $0xffff;
	v9 =	vmov v10;
	v10 =	vmov v18  }
0xd1: {  	v31 =	vadd.s32 $0x2AF8, v0;
	v0 =	vmovc v1;
	v1 =	vmovc v2;
	v18 =	vtrunc.f32 v21;
	[tilespmem:s30+$0x100] =	vst v27;
	v32 =	vld.idx.msk [tilespmem:v6+s15+$0x0], $0xffff;
	v2 =	vcvt.f32.s32 v22  }
0xd2: {  	v6 =	vmovc v3;
	v3 =	vmov v4;
	v4 =	vmov v11;
	v22 =	vcvt.f32.s32 v18;
	[tilespmem:s29+$0x100] =	vst v23;
	v28 =	vld.idx.msk [tilespmem:v28+s15+$0x0], $0xffff  }
0xd3: {  	s11 =	sor.u32 $0x8000, s7;
	v33 =	vld.idx.msk [tilespmem:v20+s15+$0x0], $0xffff;
	[tilespmem:s23+$0x300] =	vst v24  }
0xd4: {  	s2 =	sor.u32 s12, s11;
	s11 =	sor.u32 s16, s11;
	v34 =	vadd.s32 $0xFA0, v1;
	v27 =	vadd.s32 $0x3E8, v22;
	v23 =	vadd.s32 $0x7D0, v22;
	[tilespmem:s10+$0x300] =	vst v30;
	v25 =	vld.idx.msk [tilespmem:v25+s15+$0x0], $0xffff  }
0xd5: {  	v20 =	vadd.s32 $0xBB8, v22;
	v30 =	vadd.s32 $0xFA0, v22;
	v24 =	vadd.s32 $0x1388, v22;
	v35 =	vld.idx.msk [tilespmem:v13+s15+$0x0], $0xffff;
	[tilespmem:s11+$0x0] =	vst v26;
	v13 =	vmovc v16  }
0xd6: {  	v21 =	vadd.s32 $0x1770, v22;
	v16 =	vadd.s32 $0x1B58, v22;
	v26 =	vadd.s32 $0x1F40, v0;
	[tilespmem:s14+$0x0] =	vst v29;
	v36 =	vld.idx.msk [tilespmem:v31+s15+$0x0], $0xffff  }
0xd7: {  	v37 =	vadd.s32 $0x1F40, v22;
	v18 =	vadd.s32 $0x2328, v22;
	v38 =	vadd.s32 $0x2710, v22;
	v39 =	vld.idx.msk [tilespmem:v2+s15+$0x0], $0xffff;
	[tilespmem:s0+$0x0] =	vst v32  }
0xd8: {  	v11 =	vadd.s32 $0x2AF8, v22;
	v32 =	vld.idx.msk [tilespmem:v22+s15+$0x0], $0xffff;
	[tilespmem:s30+$0x180] =	vst v28  }
0xd9: {  	v40 =	vadd.s32 $0x3E8, v2;
	[tilespmem:s29+$0x180] =	vst v33;
	v29 =	vld.idx.msk [tilespmem:v34+s15+$0x0], $0xffff  }
.Ltmp0:
0xda: {  	s11 =	sor.u32 $0x8080, s7;
	s7 =	smov.u32 s21;
	v28 =	vld.idx.msk [tilespmem:v19+s15+$0x0], $0xffff;
	[tilespmem:s23+$0x380] =	vst v25;
	v19 =	vmov v30;
	(pc) =	sbr.rel @p1 .LBB2_3-.Ltmp0, $4  }
0xdb: {  	s14 =	sadd.s32 $0x3F00, s13;
	v31 =	vadd.s32 $0x1388, v1;
	s0 =	sor.u32 s12, s11;
	[tilespmem:s10+$0x380] =	vst v35;
	v26 =	vld.idx.msk [tilespmem:v26+s15+$0x0], $0xffff;
	s10 =	sor.u32 s16, s11  }
0xdc: {  	s12 =	smov.u32 s20;
	s23 =	sor.u32 s9, s14;
	s14 =	sor.u32 s24, s14;
	v25 =	vld.idx.msk [tilespmem:v12+s15+$0x0], $0xffff;
	[tilespmem:s10+$0x0] =	vst v36;
	v12 =	vmov v14;
	v14 =	vmov v37  }
0xdd: {  	s21 =	smov.u32 s26;
	s20 =	smov.u32 s22;
	s22 =	smov.u32 s9;
	v30 =	vadd.s32 $0x2328, v0;
	[tilespmem:s14+$0x0] =	vst v39;
	v22 =	vld.idx.msk [tilespmem:v5+s15+$0x0], $0xffff;
	v5 =	vmovc v7;
	v7 =	vmov v8;
	v8 =	vmov v38  }
0xde: {  	s8 =	sadd.s32 $0x20, s8;
	s26 =	smov.u32 s13;
	s16 =	smov.u32 s5;
	[tilespmem:s23+$0x0] =	vst v32;
	v32 =	vld.idx.msk [tilespmem:v40+s15+$0x0], $0xffff  }
0xdf: {  	_ =	sdelay $0x3  }
0xe0: {  	v27 =	vld.idx.msk [tilespmem:v27+s15+$0x0], $0xffff;
	v33 =	vadd.s32 $0x7D0, v2;
	_ =	sdelay $0x3  }
0xe1: {  	[tilespmem:s14+$0x80] =	vst v32  }
0xe2: {  	[tilespmem:s23+$0x80] =	vst v27;
	v62 =	vld.idx.msk [tilespmem:v33+s15+$0x0], $0xffff  }
0xe3: {  	v63 =	vadd.s32 $0xBB8, v2;
	v23 =	vld.idx.msk [tilespmem:v23+s15+$0x0], $0xffff;
	_ =	sdelay $0x3  }
0xe4: {  	[tilespmem:s14+$0x100] =	vst v62  }
0xe5: {  	[tilespmem:s23+$0x100] =	vst v23;
	v32 =	vld.idx.msk [tilespmem:v63+s15+$0x0], $0xffff  }
0xe6: {  	v33 =	vadd.s32 $0xFA0, v2;
	v20 =	vld.idx.msk [tilespmem:v20+s15+$0x0], $0xffff;
	_ =	sdelay $0x3  }
0xe7: {  	[tilespmem:s14+$0x180] =	vst v32  }
0xe8: {  	[tilespmem:s23+$0x180] =	vst v20;
	v34 =	vld.idx.msk [tilespmem:v33+s15+$0x0], $0xffff  }
0xe9: {  	v35 =	vadd.s32 $0x1388, v2;
	v19 =	vld.idx.msk [tilespmem:v19+s15+$0x0], $0xffff;
	_ =	sdelay $0x1  }
0xea: {  	[tilespmem:s30+$0x200] =	vst v29  }
0xeb: {  	[tilespmem:s29+$0x200] =	vst v28;
	v36 =	vld.idx.msk [tilespmem:v31+s15+$0x0], $0xffff  }
0xec: {  	v37 =	vadd.s32 $0x1770, v1;
	v17 =	vld.idx.msk [tilespmem:v17+s15+$0x0], $0xffff;
	[tilespmem:s14+$0x200] =	vst v34  }
0xed: {  	[tilespmem:s23+$0x200] =	vst v19;
	v38 =	vld.idx.msk [tilespmem:v35+s15+$0x0], $0xffff  }
0xee: {  	v40 =	vadd.s32 $0x1770, v2;
	v39 =	vld.idx.msk [tilespmem:v24+s15+$0x0], $0xffff;
	_ =	sdelay $0x1  }
0xef: {  	[tilespmem:s30+$0x280] =	vst v36  }
0xf0: {  	[tilespmem:s29+$0x280] =	vst v17;
	v41 =	vld.idx.msk [tilespmem:v37+s15+$0x0], $0xffff  }
0xf1: {  	v42 =	vadd.s32 $0x1B58, v1;
	v15 =	vld.idx.msk [tilespmem:v15+s15+$0x0], $0xffff;
	[tilespmem:s14+$0x280] =	vst v38  }
0xf2: {  	[tilespmem:s23+$0x280] =	vst v39;
	v19 =	vld.idx.msk [tilespmem:v40+s15+$0x0], $0xffff  }
0xf3: {  	v43 =	vadd.s32 $0x1B58, v2;
	v20 =	vld.idx.msk [tilespmem:v21+s15+$0x0], $0xffff;
	_ =	sdelay $0x1  }
0xf4: {  	[tilespmem:s30+$0x300] =	vst v41  }
0xf5: {  	[tilespmem:s29+$0x300] =	vst v15;
	v44 =	vld.idx.msk [tilespmem:v42+s15+$0x0], $0xffff  }
0xf6: {  	s3 =	sadd.s32 $0x7F00, s7;
	v45 =	vadd.s32 $0x1F40, v1;
	v13 =	vld.idx.msk [tilespmem:v13+s15+$0x0], $0xffff;
	[tilespmem:s14+$0x300] =	vst v19  }
0xf7: {  	s5 =	sor.u32 s16, s3;
	[tilespmem:s23+$0x300] =	vst v20;
	v19 =	vld.idx.msk [tilespmem:v43+s15+$0x0], $0xffff  }
0xf8: {  	v46 =	vadd.s32 $0x1F40, v2;
	[tilespmem:s5+$0x0] =	vst v26;
	v16 =	vld.idx.msk [tilespmem:v16+s15+$0x0], $0xffff  }
0xf9: {  	[tilespmem:s2+$0x0] =	vst v22  }
0xfa: {  	v6 =	vld.idx.msk [tilespmem:v6+s15+$0x0], $0xffff;
	[tilespmem:s30+$0x380] =	vst v44  }
0xfb: {  	[tilespmem:s29+$0x380] =	vst v13;
	v49 =	vld.idx.msk [tilespmem:v45+s15+$0x0], $0xffff  }
0xfc: {  	v50 =	vadd.s32 $0x2328, v1;
	v12 =	vld.idx.msk [tilespmem:v12+s15+$0x0], $0xffff;
	[tilespmem:s14+$0x380] =	vst v19  }
0xfd: {  	s3 =	sor.u32 s12, s3;
	[tilespmem:s23+$0x380] =	vst v16;
	v51 =	vld.idx.msk [tilespmem:v46+s15+$0x0], $0xffff  }
0xfe: {  	s8 =	sadd.s32 $0x7F00, s21;
	v52 =	vadd.s32 $0x2328, v2;
	[tilespmem:s3+$0x0] =	vst v25;
	v14 =	vld.idx.msk [tilespmem:v14+s15+$0x0], $0xffff  }
0xff: {  	s9 =	sor.u32 s18, s8;
	v47 =	vld.idx.msk [tilespmem:v30+s15+$0x0], $0xffff;
	[tilespmem:s0+$0x0] =	vst v6  }
0x100: {  	v48 =	vadd.s32 $0x2710, v0;
	s11 =	sadd.s32 $0x7F00, s26;
	s10 =	sor.u32 s20, s8;
	v9 =	vld.idx.msk [tilespmem:v9+s15+$0x0], $0xffff;
	[tilespmem:s9+$0x0] =	vst v49  }
0x101: {  	s13 =	sor.u32 s24, s11;
	[tilespmem:s10+$0x0] =	vst v12;
	v13 =	vld.idx.msk [tilespmem:v50+s15+$0x0], $0xffff  }
0x102: {  	v53 =	vadd.s32 $0x2710, v1;
	s5 =	sor.u32 s22, s11;
	s29 =	sadd.s32 $0x7F80, s7;
	v10 =	vld.idx.msk [tilespmem:v10+s15+$0x0], $0xffff;
	[tilespmem:s13+$0x0] =	vst v51  }
0x103: {  	s30 =	sor.u32 s16, s29;
	[tilespmem:s5+$0x0] =	vst v14;
	v54 =	vld.idx.msk [tilespmem:v52+s15+$0x0], $0xffff  }
0x104: {  	v55 =	vadd.s32 $0x2710, v2;
	s3 =	sor.u32 s12, s29;
	[tilespmem:s30+$0x0] =	vst v47;
	s23 =	sadd.s32 $0x7F80, s21;
	v56 =	vld.idx.msk [tilespmem:v18+s15+$0x0], $0xffff  }
0x105: {  	[tilespmem:s3+$0x0] =	vst v9;
	v15 =	vld.idx.msk [tilespmem:v48+s15+$0x0], $0xffff;
	s29 =	sor.u32 s18, s23  }
0x106: {  	v57 =	vadd.s32 $0x2AF8, v0;
	s30 =	sadd.s32 $0x7F80, s26;
	v5 =	vld.idx.msk [tilespmem:v5+s15+$0x0], $0xffff;
	[tilespmem:s29+$0x0] =	vst v13;
	s5 =	sor.u32 s20, s23  }
0x107: {  	s8 =	sor.u32 s24, s30;
	v58 =	vld.idx.msk [tilespmem:v53+s15+$0x0], $0xffff;
	[tilespmem:s5+$0x0] =	vst v10  }
0x108: {  	v59 =	vadd.s32 $0x2AF8, v1;
	s3 =	sor.u32 s22, s30;
	s14 =	sor.u32 $0x8000, s7;
	v7 =	vld.idx.msk [tilespmem:v7+s15+$0x0], $0xffff;
	[tilespmem:s8+$0x0] =	vst v54  }
0x109: {  	s17 =	sor.u32 s16, s14;
	[tilespmem:s3+$0x0] =	vst v56;
	v60 =	vld.idx.msk [tilespmem:v55+s15+$0x0], $0xffff  }
0x10a: {  	v61 =	vadd.s32 $0x2AF8, v2;
	s9 =	sor.u32 $0x8000, s21;
	s2 =	sor.u32 s12, s14;
	[tilespmem:s17+$0x0] =	vst v15;
	v62 =	vld.idx.msk [tilespmem:v8+s15+$0x0], $0xffff  }
0x10b: {  	s10 =	sor.u32 s18, s9;
	[tilespmem:s2+$0x0] =	vst v5;
	v0 =	vld.idx.msk [tilespmem:v57+s15+$0x0], $0xffff  }
0x10c: {  	s11 =	sor.u32 $0x8000, s26;
	s0 =	sor.u32 s20, s9;
	v3 =	vld.idx.msk [tilespmem:v3+s15+$0x0], $0xffff;
	[tilespmem:s10+$0x0] =	vst v58  }
0x10d: {  	s13 =	sor.u32 s24, s11;
	v1 =	vld.idx.msk [tilespmem:v59+s15+$0x0], $0xffff;
	[tilespmem:s0+$0x0] =	vst v7  }
0x10e: {  	s14 =	sor.u32 $0x8080, s7;
	s2 =	sor.u32 s22, s11;
	v4 =	vld.idx.msk [tilespmem:v4+s15+$0x0], $0xffff;
	[tilespmem:s13+$0x0] =	vst v60  }
0x10f: {  	s16 =	sor.u32 s16, s14;
	[tilespmem:s2+$0x0] =	vst v62;
	v2 =	vld.idx.msk [tilespmem:v61+s15+$0x0], $0xffff  }
0x110: {  	s17 =	sor.u32 $0x8080, s21;
	[tilespmem:s16+$0x0] =	vst v0;
	s0 =	sor.u32 s12, s14;
	v63 =	vld.idx.msk [tilespmem:v11+s15+$0x0], $0xffff  }
0x111: {  	s18 =	sor.u32 s18, s17;
	[tilespmem:s0+$0x0] =	vst v3  }
0x112: {  	[tilespmem:s18+$0x0] =	vst v1;
	s2 =	sor.u32 s20, s17;
	s20 =	sor.u32 $0x8080, s26  }
0x113: {  	[tilespmem:s2+$0x0] =	vst v4;
	s21 =	sor.u32 s24, s20  }
0x114: {  	s0 =	sor.u32 s22, s20;
	[tilespmem:s21+$0x0] =	vst v2  }
0x115: {  	s23 =	simm.s32 $0x3F00;
	s22 =	sadd.s32 s6, s28;
	[tilespmem:s0+$0x0] =	vst v63  }
0x116: {  	[hbm4b:s22+s4] =	stream.linear.scatter [tilespmem:s23], [sflag:$0x3], $0x4000, $0x38;
	[tilespmem:$0x13F00] =	vst v63  }
0x117: {  	s24 =	rddreg [dreg:$0x9]  }
0x118: {  	s26 =	simm.s32 $0x7F00;
	s0 =	sadd.s32 s28, s24  }
0x119: {  	[hbm4b:s0+s4] =	stream.linear.scatter [tilespmem:s26], [sflag:$0x3], $0x80, $0x38;
	[tilespmem:$0x13F00] =	vst v63  }
0x11a: {  	s30 =	simm.s32 $0x8300;
	s29 =	sadd.s32 $0x80, s0  }
0x11b: {  	[hbm4b:s29+s4] =	stream.linear.scatter [tilespmem:s30], [sflag:$0x3], $0x80, $0x38;
	[tilespmem:$0x13F00] =	vst v63  }
0x11c: {  	s17 =	smov.u32 s6;
	s6 =	simm.s32 $0x8700;
	s5 =	sadd.s32 $0x100, s0  }
0x11d: {  	[hbm4b:s5+s4] =	stream.linear.scatter [tilespmem:s6], [sflag:$0x3], $0x80, $0x38;
	[tilespmem:$0x13F00] =	vst v63  }
0x11e: {  	s8 =	simm.s32 $0x8B00;
	s7 =	sadd.s32 $0x180, s0  }
0x11f: {  	[hbm4b:s7+s4] =	stream.linear.scatter [tilespmem:s8], [sflag:$0x3], $0x80, $0x38;
	[tilespmem:$0x13F00] =	vst v63  }
0x120: {  	s10 =	simm.s32 $0x8F00;
	s9 =	sadd.s32 $0x200, s0  }
0x121: {  	[hbm4b:s9+s4] =	stream.linear.scatter [tilespmem:s10], [sflag:$0x3], $0x80, $0x38;
	[tilespmem:$0x13F00] =	vst v63  }
0x122: {  	s12 =	simm.s32 $0x9300;
	s11 =	sadd.s32 $0x280, s0  }
0x123: {  	[hbm4b:s11+s4] =	stream.linear.scatter [tilespmem:s12], [sflag:$0x3], $0x80, $0x38;
	[tilespmem:$0x13F00] =	vst v63  }
0x124: {  	s14 =	simm.s32 $0x9700;
	s13 =	sadd.s32 $0x300, s0  }
0x125: {  	[hbm4b:s13+s4] =	stream.linear.scatter [tilespmem:s14], [sflag:$0x3], $0x80, $0x38;
	[tilespmem:$0x13F00] =	vst v63  }
0x126: {  	s18 =	simm.s32 $0x9B00;
	s16 =	sadd.s32 $0x380, s0  }
0x127: {  	[hbm4b:s16+s4] =	stream.linear.scatter [tilespmem:s18], [sflag:$0x3], $0x80, $0x38;
	[tilespmem:$0x13F00] =	vst v63  }
0x128: {  	s21 =	simm.s32 $0x9F00;
	s20 =	sadd.s32 $0x400, s0  }
0x129: {  	[hbm4b:s20+s4] =	stream.linear.scatter [tilespmem:s21], [sflag:$0x3], $0x80, $0x38;
	[tilespmem:$0x13F00] =	vst v63  }
0x12a: {  	s23 =	simm.s32 $0xA300;
	s22 =	sadd.s32 $0x480, s0  }
0x12b: {  	[hbm4b:s22+s4] =	stream.linear.scatter [tilespmem:s23], [sflag:$0x3], $0x80, $0x38;
	[tilespmem:$0x13F00] =	vst v63  }
0x12c: {  	s24 =	sadd.s32 $0x500, s0;
	s26 =	simm.s32 $0xA700  }
0x12d: {  	[hbm4b:s24+s4] =	stream.linear.scatter [tilespmem:s26], [sflag:$0x3], $0x80, $0x38;
	[tilespmem:$0x13F00] =	vst v63  }
0x12e: {  	s29 =	sadd.s32 $0x580, s0;
	s30 =	simm.s32 $0xAB00  }
0x12f: {  	[hbm4b:s29+s4] =	stream.linear.scatter [tilespmem:s30], [sflag:$0x3], $0x80, $0x38;
	[tilespmem:$0x13F00] =	vst v63  }
0x130: {  	s3 =	sadd.s32 $0x600, s0;
	s5 =	simm.s32 $0xAF00  }
0x131: {  	[hbm4b:s3+s4] =	stream.linear.scatter [tilespmem:s5], [sflag:$0x3], $0x80, $0x38;
	[tilespmem:$0x13F00] =	vst v63  }
0x132: {  	s6 =	sadd.s32 $0x680, s0;
	s7 =	simm.s32 $0xB300  }
0x133: {  	[hbm4b:s6+s4] =	stream.linear.scatter [tilespmem:s7], [sflag:$0x3], $0x80, $0x38;
	[tilespmem:$0x13F00] =	vst v63  }
0x134: {  	s8 =	sadd.s32 $0x700, s0;
	s9 =	simm.s32 $0xB700  }
0x135: {  	[hbm4b:s8+s4] =	stream.linear.scatter [tilespmem:s9], [sflag:$0x3], $0x80, $0x38;
	[tilespmem:$0x13F00] =	vst v63  }
0x136: {  	s0 =	sadd.s32 $0x780, s0;
	s10 =	simm.s32 $0xBB00  }
0x137: {  	[hbm4b:s0+s4] =	stream.linear.scatter [tilespmem:s10], [sflag:$0x3], $0x80, $0x38;
	[tilespmem:$0x13F00] =	vst v63  }
0x138: {  	s6 =	rddreg [dreg:$0x3];
	s0 =	sshrl.u32 s28, $0x1  }
0x139: {  	s11 =	simm.s32 $0x7F80;
	s2 =	sadd.s32 s6, s0  }
0x13a: {  	[hbm4b:s2+s4] =	stream.linear.scatter [tilespmem:s11], [sflag:$0x3], $0x80, $0x38;
	[tilespmem:$0x13F00] =	vst v63  }
0x13b: {  	s13 =	simm.s32 $0x8380;
	s12 =	sadd.s32 $0x40, s2  }
0x13c: {  	[hbm4b:s12+s4] =	stream.linear.scatter [tilespmem:s13], [sflag:$0x3], $0x80, $0x38;
	[tilespmem:$0x13F00] =	vst v63  }
0x13d: {  	s16 =	simm.s32 $0x8780;
	s14 =	sadd.s32 $0x80, s2  }
0x13e: {  	[hbm4b:s14+s4] =	stream.linear.scatter [tilespmem:s16], [sflag:$0x3], $0x80, $0x38;
	[tilespmem:$0x13F00] =	vst v63  }
0x13f: {  	s20 =	simm.s32 $0x8B80;
	s18 =	sadd.s32 $0xC0, s2  }
0x140: {  	[hbm4b:s18+s4] =	stream.linear.scatter [tilespmem:s20], [sflag:$0x3], $0x80, $0x38;
	[tilespmem:$0x13F00] =	vst v63  }
0x141: {  	s22 =	simm.s32 $0x8F80;
	s21 =	sadd.s32 $0x100, s2  }
0x142: {  	[hbm4b:s21+s4] =	stream.linear.scatter [tilespmem:s22], [sflag:$0x3], $0x80, $0x38;
	[tilespmem:$0x13F00] =	vst v63  }
0x143: {  	s24 =	simm.s32 $0x9380;
	s23 =	sadd.s32 $0x140, s2  }
0x144: {  	[hbm4b:s23+s4] =	stream.linear.scatter [tilespmem:s24], [sflag:$0x3], $0x80, $0x38;
	[tilespmem:$0x13F00] =	vst v63  }
0x145: {  	s28 =	simm.s32 $0x9780;
	s26 =	sadd.s32 $0x180, s2  }
0x146: {  	[hbm4b:s26+s4] =	stream.linear.scatter [tilespmem:s28], [sflag:$0x3], $0x80, $0x38;
	[tilespmem:$0x13F00] =	vst v63  }
0x147: {  	s30 =	simm.s32 $0x9B80;
	s29 =	sadd.s32 $0x1C0, s2  }
0x148: {  	[hbm4b:s29+s4] =	stream.linear.scatter [tilespmem:s30], [sflag:$0x3], $0x80, $0x38;
	[tilespmem:$0x13F00] =	vst v63  }
0x149: {  	s7 =	simm.s32 $0x9F80;
	s5 =	sadd.s32 $0x200, s2  }
0x14a: {  	[hbm4b:s5+s4] =	stream.linear.scatter [tilespmem:s7], [sflag:$0x3], $0x80, $0x38;
	[tilespmem:$0x13F00] =	vst v63  }
0x14b: {  	s9 =	simm.s32 $0xA380;
	s8 =	sadd.s32 $0x240, s2  }
0x14c: {  	[hbm4b:s8+s4] =	stream.linear.scatter [tilespmem:s9], [sflag:$0x3], $0x80, $0x38;
	[tilespmem:$0x13F00] =	vst v63  }
0x14d: {  	s10 =	sadd.s32 $0x280, s2;
	s11 =	simm.s32 $0xA780  }
0x14e: {  	[hbm4b:s10+s4] =	stream.linear.scatter [tilespmem:s11], [sflag:$0x3], $0x80, $0x38;
	[tilespmem:$0x13F00] =	vst v63  }
0x14f: {  	s12 =	sadd.s32 $0x2C0, s2;
	s13 =	simm.s32 $0xAB80  }
0x150: {  	[hbm4b:s12+s4] =	stream.linear.scatter [tilespmem:s13], [sflag:$0x3], $0x80, $0x38;
	[tilespmem:$0x13F00] =	vst v63  }
0x151: {  	s14 =	sadd.s32 $0x300, s2;
	s16 =	simm.s32 $0xAF80  }
0x152: {  	[hbm4b:s14+s4] =	stream.linear.scatter [tilespmem:s16], [sflag:$0x3], $0x80, $0x38;
	[tilespmem:$0x13F00] =	vst v63  }
0x153: {  	s18 =	sadd.s32 $0x340, s2;
	s20 =	simm.s32 $0xB380  }
0x154: {  	[hbm4b:s18+s4] =	stream.linear.scatter [tilespmem:s20], [sflag:$0x3], $0x80, $0x38;
	[tilespmem:$0x13F00] =	vst v63  }
0x155: {  	s21 =	sadd.s32 $0x380, s2;
	s22 =	simm.s32 $0xB780  }
0x156: {  	[hbm4b:s21+s4] =	stream.linear.scatter [tilespmem:s22], [sflag:$0x3], $0x80, $0x38;
	[tilespmem:$0x13F00] =	vst v63  }
0x157: {  	s2 =	sadd.s32 $0x3C0, s2;
	s23 =	simm.s32 $0xBB80  }
0x158: {  	[hbm4b:s2+s4] =	stream.linear.scatter [tilespmem:s23], [sflag:$0x3], $0x80, $0x38;
	[tilespmem:$0x13F00] =	vst v63  }
0x159: {  	s23 =	rddreg [dreg:$0xa]  }
0x15a: {  	s24 =	simm.s32 $0x8000;
	s2 =	sadd.s32 s0, s23  }
0x15b: {  	[hbm4b:s2+s4] =	stream.linear.scatter [tilespmem:s24], [sflag:$0x3], $0x80, $0x38;
	[tilespmem:$0x13F00] =	vst v63  }
0x15c: {  	s28 =	simm.s32 $0x8400;
	s26 =	sadd.s32 $0x40, s2  }
0x15d: {  	[hbm4b:s26+s4] =	stream.linear.scatter [tilespmem:s28], [sflag:$0x3], $0x80, $0x38;
	[tilespmem:$0x13F00] =	vst v63  }
0x15e: {  	s30 =	simm.s32 $0x8800;
	s29 =	sadd.s32 $0x80, s2  }
0x15f: {  	[hbm4b:s29+s4] =	stream.linear.scatter [tilespmem:s30], [sflag:$0x3], $0x80, $0x38;
	[tilespmem:$0x13F00] =	vst v63  }
0x160: {  	s8 =	simm.s32 $0x8C00;
	s7 =	sadd.s32 $0xC0, s2  }
0x161: {  	[hbm4b:s7+s4] =	stream.linear.scatter [tilespmem:s8], [sflag:$0x3], $0x80, $0x38;
	[tilespmem:$0x13F00] =	vst v63  }
0x162: {  	s10 =	simm.s32 $0x9000;
	s9 =	sadd.s32 $0x100, s2  }
0x163: {  	[hbm4b:s9+s4] =	stream.linear.scatter [tilespmem:s10], [sflag:$0x3], $0x80, $0x38;
	[tilespmem:$0x13F00] =	vst v63  }
0x164: {  	s12 =	simm.s32 $0x9400;
	s11 =	sadd.s32 $0x140, s2  }
0x165: {  	[hbm4b:s11+s4] =	stream.linear.scatter [tilespmem:s12], [sflag:$0x3], $0x80, $0x38;
	[tilespmem:$0x13F00] =	vst v63  }
0x166: {  	s14 =	simm.s32 $0x9800;
	s13 =	sadd.s32 $0x180, s2  }
0x167: {  	[hbm4b:s13+s4] =	stream.linear.scatter [tilespmem:s14], [sflag:$0x3], $0x80, $0x38;
	[tilespmem:$0x13F00] =	vst v63  }
0x168: {  	s18 =	simm.s32 $0x9C00;
	s16 =	sadd.s32 $0x1C0, s2  }
0x169: {  	[hbm4b:s16+s4] =	stream.linear.scatter [tilespmem:s18], [sflag:$0x3], $0x80, $0x38;
	[tilespmem:$0x13F00] =	vst v63  }
0x16a: {  	s21 =	simm.s32 $0xA000;
	s20 =	sadd.s32 $0x200, s2  }
0x16b: {  	[hbm4b:s20+s4] =	stream.linear.scatter [tilespmem:s21], [sflag:$0x3], $0x80, $0x38;
	[tilespmem:$0x13F00] =	vst v63  }
0x16c: {  	s22 =	sadd.s32 $0x240, s2;
	s24 =	simm.s32 $0xA400  }
0x16d: {  	[hbm4b:s22+s4] =	stream.linear.scatter [tilespmem:s24], [sflag:$0x3], $0x80, $0x38;
	[tilespmem:$0x13F00] =	vst v63  }
0x16e: {  	s26 =	sadd.s32 $0x280, s2;
	s28 =	simm.s32 $0xA800  }
0x16f: {  	[hbm4b:s26+s4] =	stream.linear.scatter [tilespmem:s28], [sflag:$0x3], $0x80, $0x38;
	[tilespmem:$0x13F00] =	vst v63  }
0x170: {  	s29 =	sadd.s32 $0x2C0, s2;
	s30 =	simm.s32 $0xAC00  }
0x171: {  	[hbm4b:s29+s4] =	stream.linear.scatter [tilespmem:s30], [sflag:$0x3], $0x80, $0x38;
	[tilespmem:$0x13F00] =	vst v63  }
0x172: {  	s7 =	sadd.s32 $0x300, s2;
	s8 =	simm.s32 $0xB000  }
0x173: {  	[hbm4b:s7+s4] =	stream.linear.scatter [tilespmem:s8], [sflag:$0x3], $0x80, $0x38;
	[tilespmem:$0x13F00] =	vst v63  }
0x174: {  	s9 =	sadd.s32 $0x340, s2;
	s10 =	simm.s32 $0xB400  }
0x175: {  	[hbm4b:s9+s4] =	stream.linear.scatter [tilespmem:s10], [sflag:$0x3], $0x80, $0x38;
	[tilespmem:$0x13F00] =	vst v63  }
0x176: {  	s11 =	sadd.s32 $0x380, s2;
	s12 =	simm.s32 $0xB800  }
0x177: {  	[hbm4b:s11+s4] =	stream.linear.scatter [tilespmem:s12], [sflag:$0x3], $0x80, $0x38;
	[tilespmem:$0x13F00] =	vst v63  }
0x178: {  	s31 =	rddreg [dreg:$0xb];
	s2 =	sadd.s32 $0x3C0, s2;
	s13 =	simm.s32 $0xBC00  }
0x179: {  	[hbm4b:s2+s4] =	stream.linear.scatter [tilespmem:s13], [sflag:$0x3], $0x80, $0x38;
	[tilespmem:$0x13F00] =	vst v63  }
0x17a: {  	s0 =	sadd.s32 s0, s31;
	s14 =	simm.s32 $0x8080  }
0x17b: {  	[hbm4b:s0+s4] =	stream.linear.scatter [tilespmem:s14], [sflag:$0x3], $0x80, $0x38;
	[tilespmem:$0x13F00] =	vst v63  }
0x17c: {  	s16 =	sadd.s32 $0x40, s0;
	s18 =	simm.s32 $0x8480  }
0x17d: {  	[hbm4b:s16+s4] =	stream.linear.scatter [tilespmem:s18], [sflag:$0x3], $0x80, $0x38;
	[tilespmem:$0x13F00] =	vst v63  }
0x17e: {  	s20 =	sadd.s32 $0x80, s0;
	s21 =	simm.s32 $0x8880  }
0x17f: {  	[hbm4b:s20+s4] =	stream.linear.scatter [tilespmem:s21], [sflag:$0x3], $0x80, $0x38;
	[tilespmem:$0x13F00] =	vst v63  }
0x180: {  	s22 =	sadd.s32 $0xC0, s0;
	s24 =	simm.s32 $0x8C80  }
0x181: {  	[hbm4b:s22+s4] =	stream.linear.scatter [tilespmem:s24], [sflag:$0x3], $0x80, $0x38;
	[tilespmem:$0x13F00] =	vst v63  }
0x182: {  	s26 =	sadd.s32 $0x100, s0;
	s28 =	simm.s32 $0x9080  }
0x183: {  	[hbm4b:s26+s4] =	stream.linear.scatter [tilespmem:s28], [sflag:$0x3], $0x80, $0x38;
	[tilespmem:$0x13F00] =	vst v63  }
0x184: {  	s29 =	sadd.s32 $0x140, s0;
	s30 =	simm.s32 $0x9480  }
0x185: {  	[hbm4b:s29+s4] =	stream.linear.scatter [tilespmem:s30], [sflag:$0x3], $0x80, $0x38;
	[tilespmem:$0x13F00] =	vst v63  }
0x186: {  	s5 =	sadd.s32 $0x180, s0;
	s7 =	simm.s32 $0x9880  }
0x187: {  	[hbm4b:s5+s4] =	stream.linear.scatter [tilespmem:s7], [sflag:$0x3], $0x80, $0x38;
	[tilespmem:$0x13F00] =	vst v63  }
0x188: {  	s8 =	sadd.s32 $0x1C0, s0;
	s9 =	simm.s32 $0x9C80  }
0x189: {  	[hbm4b:s8+s4] =	stream.linear.scatter [tilespmem:s9], [sflag:$0x3], $0x80, $0x38;
	[tilespmem:$0x13F00] =	vst v63  }
0x18a: {  	s10 =	sadd.s32 $0x200, s0;
	s11 =	simm.s32 $0xA080  }
0x18b: {  	[hbm4b:s10+s4] =	stream.linear.scatter [tilespmem:s11], [sflag:$0x3], $0x80, $0x38;
	[tilespmem:$0x13F00] =	vst v63  }
0x18c: {  	s12 =	sadd.s32 $0x240, s0;
	s13 =	simm.s32 $0xA480  }
0x18d: {  	[hbm4b:s12+s4] =	stream.linear.scatter [tilespmem:s13], [sflag:$0x3], $0x80, $0x38;
	[tilespmem:$0x13F00] =	vst v63  }
0x18e: {  	s14 =	sadd.s32 $0x280, s0;
	s16 =	simm.s32 $0xA880  }
0x18f: {  	[hbm4b:s14+s4] =	stream.linear.scatter [tilespmem:s16], [sflag:$0x3], $0x80, $0x38;
	[tilespmem:$0x13F00] =	vst v63  }
0x190: {  	s18 =	sadd.s32 $0x2C0, s0;
	s20 =	simm.s32 $0xAC80  }
0x191: {  	[hbm4b:s18+s4] =	stream.linear.scatter [tilespmem:s20], [sflag:$0x3], $0x80, $0x38;
	[tilespmem:$0x13F00] =	vst v63  }
0x192: {  	s21 =	sadd.s32 $0x300, s0;
	s22 =	simm.s32 $0xB080  }
0x193: {  	[hbm4b:s21+s4] =	stream.linear.scatter [tilespmem:s22], [sflag:$0x3], $0x80, $0x38;
	[tilespmem:$0x13F00] =	vst v63  }
0x194: {  	p1 =	sne.s32 s1, $0x7;
	s24 =	sadd.s32 $0x340, s0;
	s26 =	simm.s32 $0xB480  }
0x195: {  	[hbm4b:s24+s4] =	stream.linear.scatter [tilespmem:s26], [sflag:$0x3], $0x80, $0x38;
	[tilespmem:$0x13F00] =	vst v63  }
.Ltmp1:
0x196: {  	_ = 	snop;
	(pc) =	sbr.rel @p1 .LBB2_6-.Ltmp1, $4  }
0x197: {  	s28 =	sadd.s32 $0x380, s0;
	s29 =	simm.s32 $0xB880  }
0x198: {  	[hbm4b:s28+s4] =	stream.linear.scatter [tilespmem:s29], [sflag:$0x3], $0x80, $0x38;
	[tilespmem:$0x13F00] =	vst v63  }
0x199: {  	s0 =	sadd.s32 $0x3C0, s0;
	s30 =	simm.s32 $0xBC80  }
0x19a: {  	[hbm4b:s0+s4] =	stream.linear.scatter [tilespmem:s30], [sflag:$0x3], $0x80, $0x38;
	[tilespmem:$0x13F00] =	vst v63  }
.Ltmp2:
0x19b: {  	(pc) =	sbr.rel .LBB2_7-.Ltmp2, $4  }
0x19c: {  	s0 =	simm.s32 $0x2  }
0x19d: {  	_ =	swait.ge [sflag:s0], $0x800  }
0x19e: {  	[sflag:s0] =	ssyncset.done $0x0  }
0x19f: {  	[sflag:s0] =	ssyncadd.s32 $0xFFFFF800  }
.LBB2_6:
0x1a0: {  	s0 =	rddreg [dreg:$0xc]  }
0x1a1: {  	s0 =	sadd.s32 s19, s0  }
0x1a2: {  	[tilespmem:s4], [sflag:$0x1] =	stream.linear.gather [hbm4b:s0+s4], $0x80, $0x38;
	[tilespmem:$0x13F00] =	vst v63  }
0x1a3: {  	s3 =	simm.s32 $0x100;
	s2 =	sadd.s32 $0x80, s0  }
0x1a4: {  	[tilespmem:s3], [sflag:$0x1] =	stream.linear.gather [hbm4b:s2+s4], $0x80, $0x38;
	[tilespmem:$0x13F00] =	vst v63  }
0x1a5: {  	s21 =	simm.s32 $0x200;
	s20 =	sadd.s32 $0x100, s0  }
0x1a6: {  	[tilespmem:s21], [sflag:$0x1] =	stream.linear.gather [hbm4b:s20+s4], $0x80, $0x38;
	[tilespmem:$0x13F00] =	vst v63  }
0x1a7: {  	s24 =	simm.s32 $0x300;
	s22 =	sadd.s32 $0x180, s0  }
0x1a8: {  	[tilespmem:s24], [sflag:$0x1] =	stream.linear.gather [hbm4b:s22+s4], $0x80, $0x38;
	[tilespmem:$0x13F00] =	vst v63  }
0x1a9: {  	s28 =	simm.s32 $0x400;
	s26 =	sadd.s32 $0x200, s0  }
0x1aa: {  	[tilespmem:s28], [sflag:$0x1] =	stream.linear.gather [hbm4b:s26+s4], $0x80, $0x38;
	[tilespmem:$0x13F00] =	vst v63  }
0x1ab: {  	s30 =	simm.s32 $0x500;
	s29 =	sadd.s32 $0x280, s0  }
0x1ac: {  	[tilespmem:s30], [sflag:$0x1] =	stream.linear.gather [hbm4b:s29+s4], $0x80, $0x38;
	[tilespmem:$0x13F00] =	vst v63  }
0x1ad: {  	s7 =	simm.s32 $0x600;
	s5 =	sadd.s32 $0x300, s0  }
0x1ae: {  	[tilespmem:s7], [sflag:$0x1] =	stream.linear.gather [hbm4b:s5+s4], $0x80, $0x38;
	[tilespmem:$0x13F00] =	vst v63  }
0x1af: {  	s9 =	simm.s32 $0x700;
	s8 =	sadd.s32 $0x380, s0  }
0x1b0: {  	[tilespmem:s9], [sflag:$0x1] =	stream.linear.gather [hbm4b:s8+s4], $0x80, $0x38;
	[tilespmem:$0x13F00] =	vst v63  }
0x1b1: {  	s11 =	simm.s32 $0x800;
	s10 =	sadd.s32 $0x400, s0  }
0x1b2: {  	[tilespmem:s11], [sflag:$0x1] =	stream.linear.gather [hbm4b:s10+s4], $0x80, $0x38;
	[tilespmem:$0x13F00] =	vst v63  }
0x1b3: {  	s13 =	simm.s32 $0x900;
	s12 =	sadd.s32 $0x480, s0  }
0x1b4: {  	[tilespmem:s13], [sflag:$0x1] =	stream.linear.gather [hbm4b:s12+s4], $0x80, $0x38;
	[tilespmem:$0x13F00] =	vst v63  }
0x1b5: {  	s16 =	simm.s32 $0xA00;
	s14 =	sadd.s32 $0x500, s0  }
0x1b6: {  	[tilespmem:s16], [sflag:$0x1] =	stream.linear.gather [hbm4b:s14+s4], $0x80, $0x38;
	[tilespmem:$0x13F00] =	vst v63  }
0x1b7: {  	s19 =	simm.s32 $0xB00;
	s18 =	sadd.s32 $0x580, s0  }
0x1b8: {  	[tilespmem:s19], [sflag:$0x1] =	stream.linear.gather [hbm4b:s18+s4], $0x80, $0x38;
	[tilespmem:$0x13F00] =	vst v63  }
0x1b9: {  	s20 =	sadd.s32 $0x600, s0;
	s21 =	simm.s32 $0xC00  }
0x1ba: {  	[tilespmem:s21], [sflag:$0x1] =	stream.linear.gather [hbm4b:s20+s4], $0x80, $0x38;
	[tilespmem:$0x13F00] =	vst v63  }
0x1bb: {  	s22 =	sadd.s32 $0x680, s0;
	s24 =	simm.s32 $0xD00  }
0x1bc: {  	[tilespmem:s24], [sflag:$0x1] =	stream.linear.gather [hbm4b:s22+s4], $0x80, $0x38;
	[tilespmem:$0x13F00] =	vst v63  }
0x1bd: {  	s26 =	sadd.s32 $0x700, s0;
	s28 =	simm.s32 $0xE00;
	s0 =	sadd.s32 $0x780, s0  }
0x1be: {  	[tilespmem:s28], [sflag:$0x1] =	stream.linear.gather [hbm4b:s26+s4], $0x80, $0x38;
	[tilespmem:$0x13F00] =	vst v63  }
.Ltmp3:
0x1bf: {  	s29 =	simm.s32 $0xF00;
	s30 =	simm.s32 $0x2;
	(pc) =	sbr.rel @p0 .LBB2_8-.Ltmp3, $4  }
0x1c0: {  	[tilespmem:s29], [sflag:$0x1] =	stream.linear.gather [hbm4b:s0+s4], $0x80, $0x38;
	[tilespmem:$0x13F00] =	vst v63  }
0x1c1: {  	_ =	swait.ge [sflag:s30], $0x800  }
0x1c2: {  	[sflag:s30] =	ssyncset.done $0x0  }
0x1c3: {  	[sflag:s30] =	ssyncadd.s32 $0xFFFFF800  }
.LBB2_7:
0x1c4: {  	_ =	swait.ge [sflag:s25], $0x4000  }
0x1c5: {  	[sflag:s25] =	ssyncset.done $0x0  }
0x1c6: {  	[sflag:s25] =	ssyncadd.s32 $0xFFFFC000  }
0x1c7: {  	_ =	swait.ge [sflag:s25], $0x800  }
0x1c8: {  	[sflag:s25] =	ssyncset.done $0x0  }
0x1c9: {  	[sflag:s25] =	ssyncadd.s32 $0xFFFFF800  }
0x1ca: {  	_ =	swait.ge [sflag:s25], $0x800  }
0x1cb: {  	[sflag:s25] =	ssyncset.done $0x0  }
0x1cc: {  	[sflag:s25] =	ssyncadd.s32 $0xFFFFF800  }
0x1cd: {  	_ =	swait.ge [sflag:s25], $0x800  }
0x1ce: {  	[sflag:s25] =	ssyncset.done $0x0  }
0x1cf: {  	[sflag:s25] =	ssyncadd.s32 $0xFFFFF800  }
0x1d0: {  	_ =	swait.ge [sflag:s25], $0x800  }
0x1d1: {  	[sflag:s25] =	ssyncset.done $0x0  }
0x1d2: {  	[sflag:s25] =	ssyncadd.s32 $0xFFFFF800  }
.LBB2_8:
0x1d3: {  	s0 =	simm.s32 $0x0  }
0x1d4: {  	s28 =	sand.u32 $0x60, s0;
	s30 =	sand.u32 $0x3C00, s0  }
0x1d5: {  	s0 =	sshrl.u32 s30, $0x2;
	s29 =	sor.u32 $0x10, s28  }
0x1d6: {  	s2 =	sor.u32 s29, s0  }
0x1d7: {  	s0 =	sor.u32 s28, s0;
	v0 =	vld [tilespmem:s2+$0x80]  }
0x1d8: {  	v1 =	vld [tilespmem:s0+$0x80];
	_ =	sdelay $0x3  }
0x1d9: {  	v0 =	vadd.f32 $5.000000000e-01, v0  }
0x1da: {  	v1 =	vadd.f32 $5.000000000e-01, v1  }
0x1db: {  	v0 =	vtrunc.f32 v0  }
0x1dc: {  	v1 =	vtrunc.f32 v1;
	v4 =	vcvt.f32.s32 v0  }
0x1dd: {  	v3 =	vcvt.f32.s32 v1;
	_ =	sdelay $0x4  }
0x1de: {  	v0 =	vld.idx.msk [tilespmem:v4+s15+$0x0], $0xffff  }
0x1df: {  	v2 =	vadd.s32 $0x3E8, v4;
	v1 =	vld.idx.msk [tilespmem:v3+s15+$0x0], $0xffff  }
0x1e0: {  	v5 =	vadd.s32 $0x3E8, v3  }
0x1e1: {  	s19 =	sadd.s32 $0xBF00, s30  }
0x1e2: {  	s5 =	simm.s32 $0x100;
	s20 =	sor.u32 s29, s19  }
0x1e3: {  	s3 =	simm.s32 $0x20;
	s7 =	sand.u32 $0x3C00, s5;
	s0 =	sor.u32 s28, s19;
	[tilespmem:s20+$0x0] =	vst v0  }
0x1e4: {  	s12 =	sand.u32 $0x60, s3;
	s21 =	sshrl.u32 s7, $0x2;
	[tilespmem:s0+$0x0] =	vst v1;
	v0 =	vld.idx.msk [tilespmem:v2+s15+$0x0], $0xffff  }
0x1e5: {  	s0 =	sor.u32 s12, s21;
	v1 =	vld.idx.msk [tilespmem:v5+s15+$0x0], $0xffff  }
0x1e6: {  	s19 =	sor.u32 $0x10, s12;
	v6 =	vld [tilespmem:s0+$0x80]  }
0x1e7: {  	s22 =	sor.u32 s19, s21;
	v2 =	vadd.s32 $0x7D0, v4  }
0x1e8: {  	s24 =	sadd.s32 $0xBF80, s30;
	v7 =	vadd.s32 $0x7D0, v3;
	v5 =	vld [tilespmem:s22+$0x80]  }
0x1e9: {  	s26 =	sor.u32 s29, s24  }
0x1ea: {  	s3 =	sor.u32 s28, s24;
	[tilespmem:s26+$0x0] =	vst v0  }
0x1eb: {  	[tilespmem:s3+$0x0] =	vst v1;
	v1 =	vadd.f32 $5.000000000e-01, v6  }
0x1ec: {  	v2 =	vld.idx.msk [tilespmem:v2+s15+$0x0], $0xffff  }
0x1ed: {  	v8 =	vadd.s32 $0xBB8, v4;
	v0 =	vadd.f32 $5.000000000e-01, v5;
	v5 =	vld.idx.msk [tilespmem:v7+s15+$0x0], $0xffff;
	v1 =	vtrunc.f32 v1  }
0x1ee: {  	v6 =	vadd.s32 $0xBB8, v3;
	v7 =	vcvt.f32.s32 v1  }
0x1ef: {  	s5 =	sor.u32 $0xC000, s30;
	v0 =	vtrunc.f32 v0  }
0x1f0: {  	s8 =	sor.u32 s29, s5;
	v0 =	vcvt.f32.s32 v0  }
0x1f1: {  	s0 =	sor.u32 s28, s5;
	[tilespmem:s8+$0x0] =	vst v2  }
0x1f2: {  	[tilespmem:s0+$0x0] =	vst v5;
	v1 =	vld.idx.msk [tilespmem:v8+s15+$0x0], $0xffff  }
0x1f3: {  	v2 =	vadd.s32 $0xFA0, v4;
	v5 =	vld.idx.msk [tilespmem:v6+s15+$0x0], $0xffff  }
0x1f4: {  	v6 =	vadd.s32 $0xFA0, v3;
	v9 =	vld.idx.msk [tilespmem:v7+s15+$0x0], $0xffff  }
0x1f5: {  	s9 =	sor.u32 $0xC080, s30;
	v10 =	vadd.s32 $0x3E8, v7  }
0x1f6: {  	s10 =	sor.u32 s29, s9;
	v8 =	vld.idx.msk [tilespmem:v0+s15+$0x0], $0xffff  }
0x1f7: {  	s18 =	simm.s32 $0x200;
	s11 =	sadd.s32 $0xBF00, s7;
	s0 =	sor.u32 s28, s9;
	[tilespmem:s10+$0x0] =	vst v1;
	v1 =	vadd.s32 $0x3E8, v0  }
0x1f8: {  	s16 =	simm.s32 $0x40;
	s13 =	sor.u32 s12, s11;
	s21 =	sand.u32 $0x3C00, s18;
	[tilespmem:s0+$0x0] =	vst v5;
	v2 =	vld.idx.msk [tilespmem:v2+s15+$0x0], $0xffff  }
0x1f9: {  	s16 =	sand.u32 $0x60, s16;
	v11 =	vadd.s32 $0x1388, v4;
	s22 =	sshrl.u32 s21, $0x2;
	v5 =	vld.idx.msk [tilespmem:v6+s15+$0x0], $0xffff;
	[tilespmem:s13+$0x0] =	vst v9  }
0x1fa: {  	s2 =	sor.u32 s19, s11;
	s0 =	sor.u32 s16, s22;
	v6 =	vld.idx.msk [tilespmem:v10+s15+$0x0], $0xffff  }
0x1fb: {  	s14 =	sor.u32 $0xC100, s30;
	s18 =	sor.u32 $0x10, s16;
	v12 =	vld [tilespmem:s0+$0x80];
	[tilespmem:s2+$0x0] =	vst v8;
	v9 =	vadd.s32 $0x7D0, v7  }
0x1fc: {  	s20 =	sor.u32 s29, s14;
	s24 =	sor.u32 s18, s22;
	v1 =	vld.idx.msk [tilespmem:v1+s15+$0x0], $0xffff  }
0x1fd: {  	s26 =	sadd.s32 $0xBF80, s7;
	v10 =	vld [tilespmem:s24+$0x80];
	[tilespmem:s20+$0x0] =	vst v2;
	v2 =	vadd.s32 $0x7D0, v0  }
0x1fe: {  	s3 =	sor.u32 s12, s26;
	v8 =	vld.idx.msk [tilespmem:v11+s15+$0x0], $0xffff  }
0x1ff: {  	v11 =	vadd.s32 $0x1770, v4;
	[tilespmem:s3+$0x0] =	vst v6  }
0x200: {  	s5 =	sor.u32 s19, s26;
	v6 =	vld.idx.msk [tilespmem:v9+s15+$0x0], $0xffff;
	v9 =	vadd.f32 $5.000000000e-01, v12  }
0x201: {  	v13 =	vadd.s32 $0x1388, v3;
	s8 =	sor.u32 $0xC180, s30;
	[tilespmem:s5+$0x0] =	vst v1  }
0x202: {  	s9 =	sor.u32 s29, s8;
	v1 =	vadd.f32 $5.000000000e-01, v10;
	v10 =	vadd.s32 $0xBB8, v7;
	v2 =	vld.idx.msk [tilespmem:v2+s15+$0x0], $0xffff;
	v9 =	vtrunc.f32 v9  }
0x203: {  	s2 =	sor.u32 s28, s14;
	[tilespmem:s9+$0x0] =	vst v8;
	v8 =	vadd.s32 $0xBB8, v0;
	v9 =	vcvt.f32.s32 v9  }
0x204: {  	s10 =	sor.u32 $0xC000, s7;
	[tilespmem:s2+$0x0] =	vst v5;
	v1 =	vtrunc.f32 v1;
	v5 =	vld.idx.msk [tilespmem:v11+s15+$0x0], $0xffff  }
0x205: {  	s2 =	sor.u32 s12, s10;
	v12 =	vadd.s32 $0x1B58, v4;
	v1 =	vcvt.f32.s32 v1  }
0x206: {  	s11 =	sor.u32 s19, s10;
	v11 =	vld.idx.msk [tilespmem:v13+s15+$0x0], $0xffff;
	[tilespmem:s2+$0x0] =	vst v6  }
0x207: {  	s13 =	sor.u32 $0xC200, s30;
	v13 =	vadd.s32 $0x1770, v3;
	v6 =	vld.idx.msk [tilespmem:v10+s15+$0x0], $0xffff;
	[tilespmem:s11+$0x0] =	vst v2  }
0x208: {  	s14 =	sor.u32 s29, s13;
	v2 =	vld.idx.msk [tilespmem:v8+s15+$0x0], $0xffff  }
0x209: {  	v8 =	vadd.s32 $0xFA0, v7;
	[tilespmem:s14+$0x0] =	vst v5;
	v15 =	vld.idx.msk [tilespmem:v9+s15+$0x0], $0xffff  }
0x20a: {  	s0 =	sor.u32 s28, s8;
	s20 =	sor.u32 $0xC080, s7;
	v5 =	vadd.s32 $0xFA0, v0;
	v10 =	vld.idx.msk [tilespmem:v12+s15+$0x0], $0xffff  }
0x20b: {  	v16 =	vadd.s32 $0x3E8, v9;
	[tilespmem:s0+$0x0] =	vst v11;
	s0 =	sor.u32 s12, s20;
	v14 =	vld.idx.msk [tilespmem:v1+s15+$0x0], $0xffff  }
0x20c: {  	s26 =	sadd.s32 $0xBF00, s21;
	s22 =	sor.u32 s19, s20;
	v11 =	vld.idx.msk [tilespmem:v13+s15+$0x0], $0xffff;
	v12 =	vadd.s32 $0x1F40, v4;
	[tilespmem:s0+$0x0] =	vst v6  }
0x20d: {  	s2 =	sor.u32 $0xC280, s30;
	v13 =	vadd.s32 $0x1B58, v3;
	s0 =	sor.u32 s16, s26;
	[tilespmem:s22+$0x0] =	vst v2  }
0x20e: {  	s24 =	sor.u32 s29, s2;
	v6 =	vld.idx.msk [tilespmem:v8+s15+$0x0], $0xffff;
	[tilespmem:s0+$0x0] =	vst v15  }
0x20f: {  	s5 =	sor.u32 s18, s26;
	s9 =	simm.s32 $0x60;
	s26 =	simm.s32 $0x300;
	v2 =	vadd.s32 $0x3E8, v1;
	v5 =	vld.idx.msk [tilespmem:v5+s15+$0x0], $0xffff;
	[tilespmem:s24+$0x0] =	vst v10  }
0x210: {  	s3 =	sor.u32 s28, s13;
	s20 =	sand.u32 $0x60, s9;
	v8 =	vadd.s32 $0x1388, v0;
	s22 =	sand.u32 $0x3C00, s26;
	[tilespmem:s5+$0x0] =	vst v14;
	v14 =	vld.idx.msk [tilespmem:v16+s15+$0x0], $0xffff  }
0x211: {  	s13 =	sshrl.u32 s22, $0x2;
	v10 =	vadd.s32 $0x1388, v7;
	[tilespmem:s3+$0x0] =	vst v11;
	s24 =	sor.u32 $0x10, s20;
	v11 =	vld.idx.msk [tilespmem:v12+s15+$0x0], $0xffff  }
0x212: {  	s8 =	sor.u32 $0xC100, s7;
	v12 =	vld.idx.msk [tilespmem:v13+s15+$0x0], $0xffff;
	s14 =	sor.u32 s24, s13  }
0x213: {  	s10 =	sor.u32 s19, s8;
	v13 =	vadd.s32 $0x2328, v4;
	v16 =	vld [tilespmem:s14+$0x80]  }
0x214: {  	s3 =	sor.u32 s12, s8;
	s5 =	sadd.s32 $0xFF00, s30;
	v2 =	vld.idx.msk [tilespmem:v2+s15+$0x0], $0xffff;
	[tilespmem:s10+$0x0] =	vst v5;
	v5 =	vadd.s32 $0x1F40, v3  }
0x215: {  	s11 =	sor.u32 s29, s5;
	[tilespmem:s3+$0x0] =	vst v6;
	v6 =	vld.idx.msk [tilespmem:v8+s15+$0x0], $0xffff;
	v8 =	vadd.s32 $0x7D0, v1  }
0x216: {  	s2 =	sor.u32 s28, s2;
	s3 =	sor.u32 s20, s13;
	v10 =	vld.idx.msk [tilespmem:v10+s15+$0x0], $0xffff;
	[tilespmem:s11+$0x0] =	vst v11;
	v11 =	vadd.s32 $0x7D0, v9  }
0x217: {  	v15 =	vadd.s32 $0x1770, v0;
	s8 =	sadd.s32 $0xBF80, s21;
	[tilespmem:s2+$0x0] =	vst v12;
	v12 =	vld [tilespmem:s3+$0x80]  }
0x218: {  	v17 =	vadd.s32 $0x1770, v7;
	s9 =	sor.u32 s18, s8;
	v13 =	vld.idx.msk [tilespmem:v13+s15+$0x0], $0xffff  }
0x219: {  	s10 =	sor.u32 s16, s8;
	s11 =	sor.u32 $0xC180, s7;
	[tilespmem:s9+$0x0] =	vst v2;
	v2 =	vadd.s32 $0x2710, v4;
	v5 =	vld.idx.msk [tilespmem:v5+s15+$0x0], $0xffff  }
0x21a: {  	v18 =	vadd.s32 $0x2328, v3;
	[tilespmem:s10+$0x0] =	vst v14;
	s13 =	sor.u32 s19, s11;
	v8 =	vld.idx.msk [tilespmem:v8+s15+$0x0], $0xffff  }
0x21b: {  	s14 =	sadd.s32 $0xFF80, s30;
	s0 =	sor.u32 s12, s11;
	[tilespmem:s13+$0x0] =	vst v6;
	v6 =	vadd.s32 $0xBB8, v1;
	v11 =	vld.idx.msk [tilespmem:v11+s15+$0x0], $0xffff  }
0x21c: {  	v14 =	vadd.s32 $0xBB8, v9;
	s3 =	sor.u32 s29, s14;
	[tilespmem:s0+$0x0] =	vst v10;
	v10 =	vld.idx.msk [tilespmem:v15+s15+$0x0], $0xffff;
	v12 =	vadd.f32 $5.000000000e-01, v12  }
0x21d: {  	s5 =	sor.u32 s28, s5;
	s8 =	sor.u32 $0xC000, s21;
	v15 =	vadd.f32 $5.000000000e-01, v16;
	v16 =	vld.idx.msk [tilespmem:v17+s15+$0x0], $0xffff;
	[tilespmem:s3+$0x0] =	vst v13;
	v13 =	vadd.s32 $0x1B58, v0  }
0x21e: {  	s9 =	sor.u32 s18, s8;
	v17 =	vadd.s32 $0x1B58, v7;
	v12 =	vtrunc.f32 v12;
	[tilespmem:s5+$0x0] =	vst v5;
	v5 =	vld.idx.msk [tilespmem:v2+s15+$0x0], $0xffff  }
0x21f: {  	s10 =	sor.u32 $0xC200, s7;
	v4 =	vadd.s32 $0x2AF8, v4;
	s0 =	sor.u32 s16, s8;
	v2 =	vtrunc.f32 v15;
	v27 =	vcvt.f32.s32 v12;
	v15 =	vld.idx.msk [tilespmem:v18+s15+$0x0], $0xffff;
	[tilespmem:s9+$0x0] =	vst v8  }
0x220: {  	s11 =	sor.u32 s19, s10;
	v2 =	vcvt.f32.s32 v2;
	[tilespmem:s0+$0x0] =	vst v11;
	v11 =	vld.idx.msk [tilespmem:v6+s15+$0x0], $0xffff  }
0x221: {  	s3 =	sor.u32 s12, s10;
	[tilespmem:s11+$0x0] =	vst v10;
	s0 =	sor.u32 $0x10000, s30;
	v14 =	vld.idx.msk [tilespmem:v14+s15+$0x0], $0xffff  }
0x222: {  	v26 =	vadd.s32 $0x2710, v3;
	v21 =	vadd.s32 $0x1F40, v7;
	v22 =	vadd.s32 $0x1F40, v0;
	[tilespmem:s3+$0x0] =	vst v16;
	v16 =	vld.idx.msk [tilespmem:v13+s15+$0x0], $0xffff;
	s13 =	sor.u32 s29, s0  }
0x223: {  	v20 =	vadd.s32 $0xFA0, v9;
	v19 =	vadd.s32 $0xFA0, v1;
	v12 =	vadd.s32 $0x1F40, v9;
	v17 =	vld.idx.msk [tilespmem:v17+s15+$0x0], $0xffff;
	[tilespmem:s13+$0x0] =	vst v5  }
0x224: {  	s2 =	sor.u32 s28, s14;
	s14 =	sor.u32 $0xC080, s21;
	v8 =	vadd.s32 $0x2328, v7;
	v18 =	vadd.s32 $0x1388, v9;
	v6 =	vadd.s32 $0x2AF8, v3;
	v31 =	vld.idx.msk [tilespmem:v4+s15+$0x0], $0xffff  }
0x225: {  	s5 =	sor.u32 s18, s14;
	v3 =	vadd.s32 $0x2AF8, v7;
	v10 =	vadd.s32 $0x2328, v9;
	v28 =	vadd.s32 $0x3E8, v27;
	[tilespmem:s2+$0x0] =	vst v15;
	v33 =	vld.idx.msk [tilespmem:v27+s15+$0x0], $0xffff  }
0x226: {  	s8 =	sor.u32 $0xC280, s7;
	s3 =	sor.u32 s16, s14;
	v23 =	vadd.s32 $0x7D0, v27;
	v24 =	vadd.s32 $0x1388, v27;
	v13 =	vadd.s32 $0x1B58, v9;
	v32 =	vld.idx.msk [tilespmem:v2+s15+$0x0], $0xffff;
	[tilespmem:s5+$0x0] =	vst v11  }
0x227: {  	s10 =	sor.u32 $0x10080, s30;
	s9 =	sor.u32 s19, s8;
	v34 =	vadd.s32 $0x3E8, v2;
	v5 =	vadd.s32 $0x2710, v7;
	v7 =	vadd.s32 $0x2710, v9;
	v26 =	vld.idx.msk [tilespmem:v26+s15+$0x0], $0xffff;
	[tilespmem:s3+$0x0] =	vst v14  }
0x228: {  	s13 =	sor.u32 s29, s10;
	v15 =	vadd.s32 $0x1770, v9;
	v4 =	vadd.s32 $0x2AF8, v9;
	v9 =	vadd.s32 $0x2710, v27;
	v29 =	vld.idx.msk [tilespmem:v19+s15+$0x0], $0xffff;
	[tilespmem:s9+$0x0] =	vst v16  }
0x229: {  	s11 =	sadd.s32 $0xBF00, s22;
	s2 =	sor.u32 s12, s8;
	v11 =	vadd.s32 $0x2AF8, v27;
	v19 =	vadd.s32 $0xFA0, v27;
	v30 =	vld.idx.msk [tilespmem:v20+s15+$0x0], $0xffff;
	[tilespmem:s13+$0x0] =	vst v31;
	v31 =	vadd.s32 $0x1388, v1  }
0x22a: {  	s30 =	sor.u32 $0xC100, s21;
	s0 =	sor.u32 s28, s0;
	[tilespmem:s2+$0x0] =	vst v17;
	v16 =	vadd.s32 $0x1B58, v27;
	s9 =	sor.u32 s24, s11;
	v14 =	vadd.s32 $0x1F40, v27;
	v17 =	vadd.s32 $0x2328, v27;
	v25 =	vld.idx.msk [tilespmem:v22+s15+$0x0], $0xffff  }
0x22b: {  	s28 =	sor.u32 s28, s10;
	s14 =	sor.u32 s20, s11;
	s29 =	simm.s32 $0x80;
	v20 =	vadd.s32 $0xBB8, v27;
	v22 =	vadd.s32 $0x1770, v27;
	v21 =	vld.idx.msk [tilespmem:v21+s15+$0x0], $0xffff;
	v27 =	vadd.s32 $0x2328, v0;
	[tilespmem:s9+$0x0] =	vst v32  }
0x22c: {  	s8 =	sor.u32 s18, s30;
	s5 =	sor.u32 s16, s30;
	s2 =	simm.s32 $0x6;
	[tilespmem:s14+$0x0] =	vst v33;
	v32 =	vld.idx.msk [tilespmem:v34+s15+$0x0], $0xffff  }
.LBB2_9:
0x22d: {  	s3 =	sand.u32 $0x60, s29;
	v28 =	vld.idx.msk [tilespmem:v28+s15+$0x0], $0xffff;
	s26 =	sadd.s32 $0x100, s26;
	[tilespmem:s8+$0x0] =	vst v29;
	s8 =	sadd.s32 $0xFF00, s7  }
0x22e: {  	s2 =	sadd.s32 $0x2, s2;
	v29 =	vadd.s32 $0x7D0, v2;
	s9 =	sand.u32 $0x3C00, s26;
	[tilespmem:s5+$0x0] =	vst v30;
	v30 =	vld.idx.msk [tilespmem:v31+s15+$0x0], $0xffff;
	s5 =	sor.u32 s19, s8  }
0x22f: {  	s11 =	sor.u32 $0x10, s3;
	p0 =	slt.u32 s2, $0x7E;
	s10 =	sshrl.u32 s9, $0x2;
	v31 =	vld.idx.msk [tilespmem:v18+s15+$0x0], $0xffff;
	[tilespmem:s5+$0x0] =	vst v25;
	v18 =	vmov v24  }
0x230: {  	s13 =	sadd.s32 $0xBF80, s22;
	v24 =	vadd.s32 $0x1770, v1;
	s5 =	sor.u32 s3, s10;
	s10 =	sor.u32 s11, s10;
	v25 =	vld.idx.msk [tilespmem:v27+s15+$0x0], $0xffff  }
0x231: {  	s14 =	sor.u32 s12, s8;
	v27 =	vld [tilespmem:s10+$0x80];
	s10 =	sor.u32 s20, s13;
	s13 =	sor.u32 s24, s13;
	[tilespmem:s0+$0x0] =	vst v26  }
0x232: {  	s0 =	sor.u32 $0xC180, s21;
	v26 =	vld [tilespmem:s5+$0x80];
	[tilespmem:s13+$0x0] =	vst v32;
	v32 =	vadd.s32 $0x2710, v0;
	s5 =	smov.u32 s21;
	s21 =	smov.u32 s22  }
0x233: {  	s22 =	smov.u32 s9;
	[tilespmem:s10+$0x0] =	vst v28;
	v28 =	vld.idx.msk [tilespmem:v29+s15+$0x0], $0xffff;
	s10 =	sor.u32 s16, s0;
	s0 =	sor.u32 s18, s0  }
0x234: {  	s8 =	smov.u32 s19;
	s19 =	smov.u32 s18;
	v23 =	vld.idx.msk [tilespmem:v23+s15+$0x0], $0xffff;
	[tilespmem:s0+$0x0] =	vst v30;
	s0 =	sadd.s32 $0xFF80, s7  }
0x235: {  	v29 =	vadd.s32 $0xBB8, v2;
	s18 =	smov.u32 s24;
	[tilespmem:s10+$0x0] =	vst v31;
	v24 =	vld.idx.msk [tilespmem:v24+s15+$0x0], $0xffff;
	s9 =	sor.u32 s12, s0;
	s0 =	sor.u32 s8, s0  }
0x236: {  	s24 =	smov.u32 s11;
	v27 =	vadd.f32 $5.000000000e-01, v27;
	v30 =	vld.idx.msk [tilespmem:v15+s15+$0x0], $0xffff;
	[tilespmem:s0+$0x0] =	vst v25;
	v15 =	vmov v22  }
0x237: {  	s0 =	sor.u32 $0xC000, s21;
	v25 =	vadd.s32 $0x1B58, v1;
	v22 =	vadd.f32 $5.000000000e-01, v26;
	[tilespmem:s14+$0x0] =	vst v21;
	v21 =	vld.idx.msk [tilespmem:v32+s15+$0x0], $0xffff  }
0x238: {  	s10 =	sor.u32 s20, s0;
	s0 =	sor.u32 s18, s0;
	v26 =	vtrunc.f32 v27;
	v27 =	vld.idx.msk [tilespmem:v8+s15+$0x0], $0xffff;
	v8 =	vmov v10;
	v10 =	vmov v17  }
0x239: {  	v31 =	vadd.s32 $0x2AF8, v0;
	v0 =	vmovc v1;
	v1 =	vmovc v2;
	v17 =	vtrunc.f32 v22;
	[tilespmem:s0+$0x0] =	vst v28;
	s0 =	sor.u32 $0xC200, s5;
	v32 =	vld.idx.msk [tilespmem:v6+s15+$0x0], $0xffff;
	v2 =	vcvt.f32.s32 v26  }
0x23a: {  	v6 =	vmovc v3;
	v3 =	vmov v4;
	v4 =	vmov v11;
	v26 =	vcvt.f32.s32 v17;
	[tilespmem:s10+$0x0] =	vst v23;
	v29 =	vld.idx.msk [tilespmem:v29+s15+$0x0], $0xffff;
	s10 =	sor.u32 s16, s0;
	s0 =	sor.u32 s19, s0  }
0x23b: {  	s11 =	sor.u32 $0x10000, s7;
	v33 =	vld.idx.msk [tilespmem:v20+s15+$0x0], $0xffff;
	[tilespmem:s0+$0x0] =	vst v24  }
0x23c: {  	v34 =	vadd.s32 $0xFA0, v1;
	s0 =	sor.u32 s12, s11;
	v28 =	vadd.s32 $0x3E8, v26;
	v23 =	vadd.s32 $0x7D0, v26;
	[tilespmem:s10+$0x0] =	vst v30;
	v25 =	vld.idx.msk [tilespmem:v25+s15+$0x0], $0xffff;
	s10 =	sor.u32 s8, s11  }
0x23d: {  	v20 =	vadd.s32 $0xBB8, v26;
	v35 =	vadd.s32 $0xFA0, v26;
	v24 =	vadd.s32 $0x1388, v26;
	v36 =	vld.idx.msk [tilespmem:v13+s15+$0x0], $0xffff;
	[tilespmem:s10+$0x0] =	vst v21;
	v13 =	vmovc v16  }
0x23e: {  	v22 =	vadd.s32 $0x1770, v26;
	v16 =	vadd.s32 $0x1B58, v26;
	s10 =	sor.u32 $0xC080, s21;
	v21 =	vadd.s32 $0x1F40, v0;
	[tilespmem:s9+$0x0] =	vst v27;
	v27 =	vld.idx.msk [tilespmem:v31+s15+$0x0], $0xffff  }
0x23f: {  	v37 =	vadd.s32 $0x1F40, v26;
	v17 =	vadd.s32 $0x2328, v26;
	v38 =	vadd.s32 $0x2710, v26;
	s9 =	sor.u32 s20, s10;
	s10 =	sor.u32 s18, s10;
	v39 =	vld.idx.msk [tilespmem:v2+s15+$0x0], $0xffff;
	[tilespmem:s28+$0x0] =	vst v32  }
0x240: {  	v11 =	vadd.s32 $0x2AF8, v26;
	v32 =	vld.idx.msk [tilespmem:v26+s15+$0x0], $0xffff;
	[tilespmem:s10+$0x0] =	vst v29;
	s10 =	sor.u32 $0xC280, s5  }
0x241: {  	v40 =	vadd.s32 $0x3E8, v2;
	[tilespmem:s9+$0x0] =	vst v33;
	v29 =	vld.idx.msk [tilespmem:v34+s15+$0x0], $0xffff;
	s9 =	sor.u32 s16, s10;
	s10 =	sor.u32 s19, s10  }
.Ltmp4:
0x242: {  	v30 =	vld.idx.msk [tilespmem:v19+s15+$0x0], $0xffff;
	[tilespmem:s10+$0x0] =	vst v25;
	s10 =	sor.u32 $0x10080, s7;
	v19 =	vmov v35;
	s7 =	smov.u32 s5;
	(pc) =	sbr.rel @p0 .LBB2_9-.Ltmp4, $4  }
0x243: {  	v31 =	vadd.s32 $0x1388, v1;
	s5 =	sadd.s32 $0xBF00, s22;
	[tilespmem:s9+$0x0] =	vst v36;
	v25 =	vld.idx.msk [tilespmem:v21+s15+$0x0], $0xffff;
	s28 =	sor.u32 s12, s10;
	s8 =	sor.u32 s8, s10  }
0x244: {  	s9 =	sor.u32 s3, s5;
	s5 =	sor.u32 s24, s5;
	s12 =	smov.u32 s16;
	v21 =	vld.idx.msk [tilespmem:v12+s15+$0x0], $0xffff;
	[tilespmem:s8+$0x0] =	vst v27;
	v12 =	vmov v14;
	v14 =	vmov v37  }
0x245: {  	s16 =	smov.u32 s20;
	s20 =	smov.u32 s3;
	s8 =	sor.u32 $0xC100, s21;
	v27 =	vadd.s32 $0x2328, v0;
	[tilespmem:s5+$0x0] =	vst v39;
	v26 =	vld.idx.msk [tilespmem:v5+s15+$0x0], $0xffff;
	v5 =	vmovc v7;
	v7 =	vmov v9;
	v9 =	vmov v38  }
0x246: {  	s29 =	sadd.s32 $0x20, s29;
	s5 =	sor.u32 s16, s8;
	s8 =	sor.u32 s18, s8;
	[tilespmem:s9+$0x0] =	vst v32;
	v32 =	vld.idx.msk [tilespmem:v40+s15+$0x0], $0xffff  }
0x247: {  	_ =	sdelay $0x3  }
0x248: {  	v28 =	vld.idx.msk [tilespmem:v28+s15+$0x0], $0xffff;
	v33 =	vadd.s32 $0x7D0, v2;
	_ =	sdelay $0x1  }
0x249: {  	s2 =	sadd.s32 $0xBF80, s22  }
0x24a: {  	s3 =	sor.u32 s24, s2  }
0x24b: {  	s2 =	sor.u32 s20, s2;
	[tilespmem:s3+$0x0] =	vst v32  }
0x24c: {  	[tilespmem:s2+$0x0] =	vst v28;
	v61 =	vld.idx.msk [tilespmem:v33+s15+$0x0], $0xffff  }
0x24d: {  	v62 =	vadd.s32 $0xBB8, v2;
	v23 =	vld.idx.msk [tilespmem:v23+s15+$0x0], $0xffff;
	_ =	sdelay $0x1  }
0x24e: {  	s9 =	sor.u32 $0xC000, s22  }
0x24f: {  	s10 =	sor.u32 s24, s9  }
0x250: {  	s2 =	sor.u32 s20, s9;
	[tilespmem:s10+$0x0] =	vst v61  }
0x251: {  	[tilespmem:s2+$0x0] =	vst v23;
	v63 =	vld.idx.msk [tilespmem:v62+s15+$0x0], $0xffff  }
0x252: {  	v32 =	vadd.s32 $0xFA0, v2;
	v20 =	vld.idx.msk [tilespmem:v20+s15+$0x0], $0xffff;
	_ =	sdelay $0x1  }
0x253: {  	s11 =	sor.u32 $0xC080, s22  }
0x254: {  	s13 =	sor.u32 s24, s11  }
0x255: {  	s2 =	sor.u32 s20, s11;
	[tilespmem:s13+$0x0] =	vst v63  }
0x256: {  	[tilespmem:s2+$0x0] =	vst v20;
	v33 =	vld.idx.msk [tilespmem:v32+s15+$0x0], $0xffff  }
0x257: {  	v34 =	vadd.s32 $0x1388, v2;
	v19 =	vld.idx.msk [tilespmem:v19+s15+$0x0], $0xffff  }
0x258: {  	[tilespmem:s8+$0x0] =	vst v29  }
0x259: {  	s14 =	sor.u32 $0xC100, s22;
	v35 =	vld.idx.msk [tilespmem:v31+s15+$0x0], $0xffff  }
0x25a: {  	[tilespmem:s5+$0x0] =	vst v30;
	v36 =	vadd.s32 $0x1770, v1;
	s26 =	sor.u32 s24, s14  }
0x25b: {  	v18 =	vld.idx.msk [tilespmem:v18+s15+$0x0], $0xffff;
	s2 =	sor.u32 s20, s14;
	[tilespmem:s26+$0x0] =	vst v33  }
0x25c: {  	s29 =	sor.u32 $0xC180, s21;
	[tilespmem:s2+$0x0] =	vst v19;
	v37 =	vld.idx.msk [tilespmem:v34+s15+$0x0], $0xffff  }
0x25d: {  	v39 =	vadd.s32 $0x1770, v2;
	s30 =	sor.u32 s18, s29;
	v38 =	vld.idx.msk [tilespmem:v24+s15+$0x0], $0xffff  }
0x25e: {  	[tilespmem:s30+$0x0] =	vst v35  }
0x25f: {  	s5 =	sor.u32 $0xC180, s22;
	v40 =	vld.idx.msk [tilespmem:v36+s15+$0x0], $0xffff;
	s2 =	sor.u32 s16, s29  }
0x260: {  	v41 =	vadd.s32 $0x1B58, v1;
	s8 =	sor.u32 s24, s5;
	[tilespmem:s2+$0x0] =	vst v18  }
0x261: {  	s3 =	sor.u32 s20, s5;
	v15 =	vld.idx.msk [tilespmem:v15+s15+$0x0], $0xffff;
	[tilespmem:s8+$0x0] =	vst v37  }
0x262: {  	s9 =	sor.u32 $0xC200, s21;
	[tilespmem:s3+$0x0] =	vst v38;
	v19 =	vld.idx.msk [tilespmem:v39+s15+$0x0], $0xffff  }
0x263: {  	v42 =	vadd.s32 $0x1B58, v2;
	s10 =	sor.u32 s18, s9;
	v20 =	vld.idx.msk [tilespmem:v22+s15+$0x0], $0xffff  }
0x264: {  	[tilespmem:s10+$0x0] =	vst v40  }
0x265: {  	[tilespmem:s0+$0x0] =	vst v26;
	s11 =	sor.u32 $0xC200, s22;
	v43 =	vld.idx.msk [tilespmem:v41+s15+$0x0], $0xffff;
	s2 =	sor.u32 s16, s9  }
0x266: {  	v44 =	vadd.s32 $0x1F40, v1;
	v6 =	vld.idx.msk [tilespmem:v6+s15+$0x0], $0xffff;
	s13 =	sor.u32 s24, s11;
	[tilespmem:s2+$0x0] =	vst v15  }
0x267: {  	s3 =	sor.u32 s20, s11;
	v13 =	vld.idx.msk [tilespmem:v13+s15+$0x0], $0xffff;
	[tilespmem:s13+$0x0] =	vst v19  }
0x268: {  	s29 =	sor.u32 $0xC280, s21;
	[tilespmem:s3+$0x0] =	vst v20;
	v19 =	vld.idx.msk [tilespmem:v42+s15+$0x0], $0xffff  }
0x269: {  	v45 =	vadd.s32 $0x1F40, v2;
	s30 =	sor.u32 s18, s29;
	v16 =	vld.idx.msk [tilespmem:v16+s15+$0x0], $0xffff  }
0x26a: {  	[tilespmem:s30+$0x0] =	vst v43  }
0x26b: {  	s5 =	sor.u32 $0xC280, s22;
	[tilespmem:s28+$0x0] =	vst v6;
	v48 =	vld.idx.msk [tilespmem:v44+s15+$0x0], $0xffff;
	s3 =	sor.u32 s16, s29  }
0x26c: {  	v49 =	vadd.s32 $0x2328, v1;
	s8 =	sor.u32 s24, s5;
	[tilespmem:s3+$0x0] =	vst v13  }
0x26d: {  	s0 =	sor.u32 s20, s5;
	s14 =	sadd.s32 $0xFF00, s7;
	v12 =	vld.idx.msk [tilespmem:v12+s15+$0x0], $0xffff;
	[tilespmem:s8+$0x0] =	vst v19  }
0x26e: {  	s26 =	sor.u32 s19, s14;
	s11 =	sadd.s32 $0xFF00, s21;
	[tilespmem:s0+$0x0] =	vst v16;
	v50 =	vld.idx.msk [tilespmem:v45+s15+$0x0], $0xffff  }
0x26f: {  	v51 =	vadd.s32 $0x2328, v2;
	[tilespmem:s26+$0x0] =	vst v25;
	s13 =	sor.u32 s18, s11;
	v14 =	vld.idx.msk [tilespmem:v14+s15+$0x0], $0xffff  }
0x270: {  	v46 =	vld.idx.msk [tilespmem:v27+s15+$0x0], $0xffff;
	s2 =	sor.u32 s12, s14;
	[tilespmem:s13+$0x0] =	vst v48  }
0x271: {  	v47 =	vadd.s32 $0x2710, v0;
	s14 =	sadd.s32 $0xFF00, s22;
	[tilespmem:s2+$0x0] =	vst v21;
	v13 =	vld.idx.msk [tilespmem:v49+s15+$0x0], $0xffff;
	s0 =	sor.u32 s16, s11  }
0x272: {  	v53 =	vadd.s32 $0x2710, v1;
	s26 =	sor.u32 s24, s14;
	v8 =	vld.idx.msk [tilespmem:v8+s15+$0x0], $0xffff;
	[tilespmem:s0+$0x0] =	vst v12  }
0x273: {  	s9 =	sadd.s32 $0xFF80, s7;
	s2 =	sor.u32 s20, s14;
	v10 =	vld.idx.msk [tilespmem:v10+s15+$0x0], $0xffff;
	[tilespmem:s26+$0x0] =	vst v50  }
0x274: {  	s10 =	sor.u32 s19, s9;
	s5 =	sadd.s32 $0xFF80, s21;
	[tilespmem:s2+$0x0] =	vst v14;
	v54 =	vld.idx.msk [tilespmem:v51+s15+$0x0], $0xffff  }
0x275: {  	v55 =	vadd.s32 $0x2710, v2;
	[tilespmem:s10+$0x0] =	vst v46;
	s8 =	sor.u32 s18, s5;
	v56 =	vld.idx.msk [tilespmem:v17+s15+$0x0], $0xffff  }
0x276: {  	v52 =	vld.idx.msk [tilespmem:v47+s15+$0x0], $0xffff;
	s3 =	sor.u32 s12, s9;
	[tilespmem:s8+$0x0] =	vst v13  }
0x277: {  	v57 =	vadd.s32 $0x2AF8, v0;
	s9 =	sadd.s32 $0xFF80, s22;
	[tilespmem:s3+$0x0] =	vst v8;
	v58 =	vld.idx.msk [tilespmem:v53+s15+$0x0], $0xffff;
	s2 =	sor.u32 s16, s5  }
0x278: {  	v59 =	vadd.s32 $0x2AF8, v1;
	s10 =	sor.u32 s24, s9;
	v5 =	vld.idx.msk [tilespmem:v5+s15+$0x0], $0xffff;
	[tilespmem:s2+$0x0] =	vst v10  }
0x279: {  	s29 =	sor.u32 $0x10000, s7;
	s11 =	sor.u32 s20, s9;
	v7 =	vld.idx.msk [tilespmem:v7+s15+$0x0], $0xffff;
	[tilespmem:s10+$0x0] =	vst v54  }
0x27a: {  	s13 =	sor.u32 $0x10000, s21;
	s30 =	sor.u32 s19, s29;
	[tilespmem:s11+$0x0] =	vst v56;
	v60 =	vld.idx.msk [tilespmem:v55+s15+$0x0], $0xffff  }
0x27b: {  	v61 =	vadd.s32 $0x2AF8, v2;
	s14 =	sor.u32 s18, s13;
	[tilespmem:s30+$0x0] =	vst v52;
	v62 =	vld.idx.msk [tilespmem:v9+s15+$0x0], $0xffff  }
0x27c: {  	v0 =	vld.idx.msk [tilespmem:v57+s15+$0x0], $0xffff;
	s0 =	sor.u32 s12, s29;
	[tilespmem:s14+$0x0] =	vst v58  }
0x27d: {  	[tilespmem:s0+$0x0] =	vst v5;
	s26 =	sor.u32 $0x10000, s22;
	s2 =	sor.u32 s16, s13;
	v1 =	vld.idx.msk [tilespmem:v59+s15+$0x0], $0xffff  }
0x27e: {  	v3 =	vld.idx.msk [tilespmem:v3+s15+$0x0], $0xffff;
	s28 =	sor.u32 s24, s26;
	[tilespmem:s2+$0x0] =	vst v7  }
0x27f: {  	s29 =	sor.u32 $0x10080, s7;
	s0 =	sor.u32 s20, s26;
	v4 =	vld.idx.msk [tilespmem:v4+s15+$0x0], $0xffff;
	[tilespmem:s28+$0x0] =	vst v60  }
0x280: {  	s3 =	sor.u32 $0x10080, s21;
	s30 =	sor.u32 s19, s29;
	[tilespmem:s0+$0x0] =	vst v62;
	v2 =	vld.idx.msk [tilespmem:v61+s15+$0x0], $0xffff  }
0x281: {  	[tilespmem:s30+$0x0] =	vst v0;
	s5 =	sor.u32 s18, s3;
	v63 =	vld.idx.msk [tilespmem:v11+s15+$0x0], $0xffff  }
0x282: {  	[tilespmem:s5+$0x0] =	vst v1;
	s2 =	sor.u32 s12, s29  }
0x283: {  	s7 =	sor.u32 $0x10080, s22;
	[tilespmem:s2+$0x0] =	vst v3;
	s0 =	sor.u32 s16, s3  }
0x284: {  	s8 =	sor.u32 s24, s7;
	[tilespmem:s0+$0x0] =	vst v4  }
0x285: {  	s2 =	sor.u32 s20, s7;
	[tilespmem:s8+$0x0] =	vst v2  }
0x286: {  	[tilespmem:s2+$0x0] =	vst v63  }
0x287: {  	s5 =	rddreg [dreg:$0x16]  }
0x288: {  	s11 =	rddreg [dreg:$0xd]  }
0x289: {  	s10 =	simm.s32 $0xBF00;
	s12 =	rddreg [dreg:$0x15];
	s9 =	sadd.s32 s17, s5  }
0x28a: {  	[hbm4b:s9+s4] =	stream.linear.scatter [tilespmem:s10], [sflag:$0x4], $0x4000, $0x38;
	[tilespmem:$0x13F00] =	vst v63  }
0x28b: {  	s13 =	simm.s32 $0xFF00;
	s0 =	sadd.s32 s12, s11  }
0x28c: {  	[hbm4b:s0+s4] =	stream.linear.scatter [tilespmem:s13], [sflag:$0x4], $0x80, $0x38;
	[tilespmem:$0x13F00] =	vst v63  }
0x28d: {  	s16 =	simm.s32 $0x10300;
	s14 =	sadd.s32 $0x80, s0  }
0x28e: {  	[hbm4b:s14+s4] =	stream.linear.scatter [tilespmem:s16], [sflag:$0x4], $0x80, $0x38;
	[tilespmem:$0x13F00] =	vst v63  }
0x28f: {  	s19 =	simm.s32 $0x10700;
	s18 =	sadd.s32 $0x100, s0  }
0x290: {  	[hbm4b:s18+s4] =	stream.linear.scatter [tilespmem:s19], [sflag:$0x4], $0x80, $0x38;
	[tilespmem:$0x13F00] =	vst v63  }
0x291: {  	s21 =	simm.s32 $0x10B00;
	s20 =	sadd.s32 $0x180, s0  }
0x292: {  	[hbm4b:s20+s4] =	stream.linear.scatter [tilespmem:s21], [sflag:$0x4], $0x80, $0x38;
	[tilespmem:$0x13F00] =	vst v63  }
0x293: {  	s24 =	simm.s32 $0x10F00;
	s22 =	sadd.s32 $0x200, s0  }
0x294: {  	[hbm4b:s22+s4] =	stream.linear.scatter [tilespmem:s24], [sflag:$0x4], $0x80, $0x38;
	[tilespmem:$0x13F00] =	vst v63  }
0x295: {  	s28 =	simm.s32 $0x11300;
	s26 =	sadd.s32 $0x280, s0  }
0x296: {  	[hbm4b:s26+s4] =	stream.linear.scatter [tilespmem:s28], [sflag:$0x4], $0x80, $0x38;
	[tilespmem:$0x13F00] =	vst v63  }
0x297: {  	s30 =	simm.s32 $0x11700;
	s29 =	sadd.s32 $0x300, s0  }
0x298: {  	[hbm4b:s29+s4] =	stream.linear.scatter [tilespmem:s30], [sflag:$0x4], $0x80, $0x38;
	[tilespmem:$0x13F00] =	vst v63  }
0x299: {  	s7 =	simm.s32 $0x11B00;
	s3 =	sadd.s32 $0x380, s0  }
0x29a: {  	[hbm4b:s3+s4] =	stream.linear.scatter [tilespmem:s7], [sflag:$0x4], $0x80, $0x38;
	[tilespmem:$0x13F00] =	vst v63  }
0x29b: {  	s8 =	sadd.s32 $0x400, s0;
	s9 =	simm.s32 $0x11F00  }
0x29c: {  	[hbm4b:s8+s4] =	stream.linear.scatter [tilespmem:s9], [sflag:$0x4], $0x80, $0x38;
	[tilespmem:$0x13F00] =	vst v63  }
0x29d: {  	s11 =	simm.s32 $0x12300;
	s10 =	sadd.s32 $0x480, s0  }
0x29e: {  	[hbm4b:s10+s4] =	stream.linear.scatter [tilespmem:s11], [sflag:$0x4], $0x80, $0x38;
	[tilespmem:$0x13F00] =	vst v63  }
0x29f: {  	s12 =	sadd.s32 $0x500, s0;
	s13 =	simm.s32 $0x12700  }
0x2a0: {  	[hbm4b:s12+s4] =	stream.linear.scatter [tilespmem:s13], [sflag:$0x4], $0x80, $0x38;
	[tilespmem:$0x13F00] =	vst v63  }
0x2a1: {  	s14 =	sadd.s32 $0x580, s0;
	s16 =	simm.s32 $0x12B00  }
0x2a2: {  	[hbm4b:s14+s4] =	stream.linear.scatter [tilespmem:s16], [sflag:$0x4], $0x80, $0x38;
	[tilespmem:$0x13F00] =	vst v63  }
0x2a3: {  	s18 =	sadd.s32 $0x600, s0;
	s19 =	simm.s32 $0x12F00  }
0x2a4: {  	[hbm4b:s18+s4] =	stream.linear.scatter [tilespmem:s19], [sflag:$0x4], $0x80, $0x38;
	[tilespmem:$0x13F00] =	vst v63  }
0x2a5: {  	s20 =	sadd.s32 $0x680, s0;
	s21 =	simm.s32 $0x13300  }
0x2a6: {  	[hbm4b:s20+s4] =	stream.linear.scatter [tilespmem:s21], [sflag:$0x4], $0x80, $0x38;
	[tilespmem:$0x13F00] =	vst v63  }
0x2a7: {  	s22 =	sadd.s32 $0x700, s0;
	s24 =	simm.s32 $0x13700  }
0x2a8: {  	[hbm4b:s22+s4] =	stream.linear.scatter [tilespmem:s24], [sflag:$0x4], $0x80, $0x38;
	[tilespmem:$0x13F00] =	vst v63  }
0x2a9: {  	s0 =	sadd.s32 $0x780, s0;
	s26 =	simm.s32 $0x13B00  }
0x2aa: {  	[hbm4b:s0+s4] =	stream.linear.scatter [tilespmem:s26], [sflag:$0x4], $0x80, $0x38;
	[tilespmem:$0x13F00] =	vst v63  }
0x2ab: {  	s0 =	sshrl.u32 s5, $0x1  }
0x2ac: {  	s28 =	simm.s32 $0xFF80;
	s2 =	sadd.s32 s6, s0  }
0x2ad: {  	[hbm4b:s2+s4] =	stream.linear.scatter [tilespmem:s28], [sflag:$0x4], $0x80, $0x38;
	[tilespmem:$0x13F00] =	vst v63  }
0x2ae: {  	s30 =	simm.s32 $0x10380;
	s29 =	sadd.s32 $0x40, s2  }
0x2af: {  	[hbm4b:s29+s4] =	stream.linear.scatter [tilespmem:s30], [sflag:$0x4], $0x80, $0x38;
	[tilespmem:$0x13F00] =	vst v63  }
0x2b0: {  	s7 =	simm.s32 $0x10780;
	s6 =	sadd.s32 $0x80, s2  }
0x2b1: {  	[hbm4b:s6+s4] =	stream.linear.scatter [tilespmem:s7], [sflag:$0x4], $0x80, $0x38;
	[tilespmem:$0x13F00] =	vst v63  }
0x2b2: {  	s9 =	simm.s32 $0x10B80;
	s8 =	sadd.s32 $0xC0, s2  }
0x2b3: {  	[hbm4b:s8+s4] =	stream.linear.scatter [tilespmem:s9], [sflag:$0x4], $0x80, $0x38;
	[tilespmem:$0x13F00] =	vst v63  }
0x2b4: {  	s11 =	simm.s32 $0x10F80;
	s10 =	sadd.s32 $0x100, s2  }
0x2b5: {  	[hbm4b:s10+s4] =	stream.linear.scatter [tilespmem:s11], [sflag:$0x4], $0x80, $0x38;
	[tilespmem:$0x13F00] =	vst v63  }
0x2b6: {  	s13 =	simm.s32 $0x11380;
	s12 =	sadd.s32 $0x140, s2  }
0x2b7: {  	[hbm4b:s12+s4] =	stream.linear.scatter [tilespmem:s13], [sflag:$0x4], $0x80, $0x38;
	[tilespmem:$0x13F00] =	vst v63  }
0x2b8: {  	s16 =	simm.s32 $0x11780;
	s14 =	sadd.s32 $0x180, s2  }
0x2b9: {  	[hbm4b:s14+s4] =	stream.linear.scatter [tilespmem:s16], [sflag:$0x4], $0x80, $0x38;
	[tilespmem:$0x13F00] =	vst v63  }
0x2ba: {  	s19 =	simm.s32 $0x11B80;
	s18 =	sadd.s32 $0x1C0, s2  }
0x2bb: {  	[hbm4b:s18+s4] =	stream.linear.scatter [tilespmem:s19], [sflag:$0x4], $0x80, $0x38;
	[tilespmem:$0x13F00] =	vst v63  }
0x2bc: {  	s21 =	simm.s32 $0x11F80;
	s20 =	sadd.s32 $0x200, s2  }
0x2bd: {  	[hbm4b:s20+s4] =	stream.linear.scatter [tilespmem:s21], [sflag:$0x4], $0x80, $0x38;
	[tilespmem:$0x13F00] =	vst v63  }
0x2be: {  	s24 =	simm.s32 $0x12380;
	s22 =	sadd.s32 $0x240, s2  }
0x2bf: {  	[hbm4b:s22+s4] =	stream.linear.scatter [tilespmem:s24], [sflag:$0x4], $0x80, $0x38;
	[tilespmem:$0x13F00] =	vst v63  }
0x2c0: {  	s26 =	sadd.s32 $0x280, s2;
	s28 =	simm.s32 $0x12780  }
0x2c1: {  	[hbm4b:s26+s4] =	stream.linear.scatter [tilespmem:s28], [sflag:$0x4], $0x80, $0x38;
	[tilespmem:$0x13F00] =	vst v63  }
0x2c2: {  	s29 =	sadd.s32 $0x2C0, s2;
	s30 =	simm.s32 $0x12B80  }
0x2c3: {  	[hbm4b:s29+s4] =	stream.linear.scatter [tilespmem:s30], [sflag:$0x4], $0x80, $0x38;
	[tilespmem:$0x13F00] =	vst v63  }
0x2c4: {  	s5 =	sadd.s32 $0x300, s2;
	s6 =	simm.s32 $0x12F80  }
0x2c5: {  	[hbm4b:s5+s4] =	stream.linear.scatter [tilespmem:s6], [sflag:$0x4], $0x80, $0x38;
	[tilespmem:$0x13F00] =	vst v63  }
0x2c6: {  	s7 =	sadd.s32 $0x340, s2;
	s8 =	simm.s32 $0x13380  }
0x2c7: {  	[hbm4b:s7+s4] =	stream.linear.scatter [tilespmem:s8], [sflag:$0x4], $0x80, $0x38;
	[tilespmem:$0x13F00] =	vst v63  }
0x2c8: {  	s9 =	sadd.s32 $0x380, s2;
	s10 =	simm.s32 $0x13780  }
0x2c9: {  	[hbm4b:s9+s4] =	stream.linear.scatter [tilespmem:s10], [sflag:$0x4], $0x80, $0x38;
	[tilespmem:$0x13F00] =	vst v63  }
0x2ca: {  	s2 =	sadd.s32 $0x3C0, s2;
	s11 =	simm.s32 $0x13B80  }
0x2cb: {  	[hbm4b:s2+s4] =	stream.linear.scatter [tilespmem:s11], [sflag:$0x4], $0x80, $0x38;
	[tilespmem:$0x13F00] =	vst v63  }
0x2cc: {  	s12 =	simm.s32 $0x10000;
	s2 =	sadd.s32 s0, s23  }
0x2cd: {  	[hbm4b:s2+s4] =	stream.linear.scatter [tilespmem:s12], [sflag:$0x4], $0x80, $0x38;
	[tilespmem:$0x13F00] =	vst v63  }
0x2ce: {  	s14 =	simm.s32 $0x10400;
	s13 =	sadd.s32 $0x40, s2  }
0x2cf: {  	[hbm4b:s13+s4] =	stream.linear.scatter [tilespmem:s14], [sflag:$0x4], $0x80, $0x38;
	[tilespmem:$0x13F00] =	vst v63  }
0x2d0: {  	s18 =	simm.s32 $0x10800;
	s16 =	sadd.s32 $0x80, s2  }
0x2d1: {  	[hbm4b:s16+s4] =	stream.linear.scatter [tilespmem:s18], [sflag:$0x4], $0x80, $0x38;
	[tilespmem:$0x13F00] =	vst v63  }
0x2d2: {  	s20 =	simm.s32 $0x10C00;
	s19 =	sadd.s32 $0xC0, s2  }
0x2d3: {  	[hbm4b:s19+s4] =	stream.linear.scatter [tilespmem:s20], [sflag:$0x4], $0x80, $0x38;
	[tilespmem:$0x13F00] =	vst v63  }
0x2d4: {  	s22 =	simm.s32 $0x11000;
	s21 =	sadd.s32 $0x100, s2  }
0x2d5: {  	[hbm4b:s21+s4] =	stream.linear.scatter [tilespmem:s22], [sflag:$0x4], $0x80, $0x38;
	[tilespmem:$0x13F00] =	vst v63  }
0x2d6: {  	s24 =	simm.s32 $0x11400;
	s23 =	sadd.s32 $0x140, s2  }
0x2d7: {  	[hbm4b:s23+s4] =	stream.linear.scatter [tilespmem:s24], [sflag:$0x4], $0x80, $0x38;
	[tilespmem:$0x13F00] =	vst v63  }
0x2d8: {  	s28 =	simm.s32 $0x11800;
	s26 =	sadd.s32 $0x180, s2  }
0x2d9: {  	[hbm4b:s26+s4] =	stream.linear.scatter [tilespmem:s28], [sflag:$0x4], $0x80, $0x38;
	[tilespmem:$0x13F00] =	vst v63  }
0x2da: {  	s30 =	simm.s32 $0x11C00;
	s29 =	sadd.s32 $0x1C0, s2  }
0x2db: {  	[hbm4b:s29+s4] =	stream.linear.scatter [tilespmem:s30], [sflag:$0x4], $0x80, $0x38;
	[tilespmem:$0x13F00] =	vst v63  }
0x2dc: {  	s7 =	simm.s32 $0x12000;
	s6 =	sadd.s32 $0x200, s2  }
0x2dd: {  	[hbm4b:s6+s4] =	stream.linear.scatter [tilespmem:s7], [sflag:$0x4], $0x80, $0x38;
	[tilespmem:$0x13F00] =	vst v63  }
0x2de: {  	s9 =	simm.s32 $0x12400;
	s8 =	sadd.s32 $0x240, s2  }
0x2df: {  	[hbm4b:s8+s4] =	stream.linear.scatter [tilespmem:s9], [sflag:$0x4], $0x80, $0x38;
	[tilespmem:$0x13F00] =	vst v63  }
0x2e0: {  	s11 =	simm.s32 $0x12800;
	s10 =	sadd.s32 $0x280, s2  }
0x2e1: {  	[hbm4b:s10+s4] =	stream.linear.scatter [tilespmem:s11], [sflag:$0x4], $0x80, $0x38;
	[tilespmem:$0x13F00] =	vst v63  }
0x2e2: {  	s12 =	sadd.s32 $0x2C0, s2;
	s13 =	simm.s32 $0x12C00  }
0x2e3: {  	[hbm4b:s12+s4] =	stream.linear.scatter [tilespmem:s13], [sflag:$0x4], $0x80, $0x38;
	[tilespmem:$0x13F00] =	vst v63  }
0x2e4: {  	s14 =	sadd.s32 $0x300, s2;
	s16 =	simm.s32 $0x13000  }
0x2e5: {  	[hbm4b:s14+s4] =	stream.linear.scatter [tilespmem:s16], [sflag:$0x4], $0x80, $0x38;
	[tilespmem:$0x13F00] =	vst v63  }
0x2e6: {  	s18 =	sadd.s32 $0x340, s2;
	s19 =	simm.s32 $0x13400  }
0x2e7: {  	[hbm4b:s18+s4] =	stream.linear.scatter [tilespmem:s19], [sflag:$0x4], $0x80, $0x38;
	[tilespmem:$0x13F00] =	vst v63  }
0x2e8: {  	s20 =	sadd.s32 $0x380, s2;
	s21 =	simm.s32 $0x13800  }
0x2e9: {  	[hbm4b:s20+s4] =	stream.linear.scatter [tilespmem:s21], [sflag:$0x4], $0x80, $0x38;
	[tilespmem:$0x13F00] =	vst v63  }
0x2ea: {  	s2 =	sadd.s32 $0x3C0, s2;
	s22 =	simm.s32 $0x13C00  }
0x2eb: {  	[hbm4b:s2+s4] =	stream.linear.scatter [tilespmem:s22], [sflag:$0x4], $0x80, $0x38;
	[tilespmem:$0x13F00] =	vst v63  }
0x2ec: {  	s0 =	sadd.s32 s0, s31;
	s23 =	simm.s32 $0x10080  }
0x2ed: {  	[hbm4b:s0+s4] =	stream.linear.scatter [tilespmem:s23], [sflag:$0x4], $0x80, $0x38;
	[tilespmem:$0x13F00] =	vst v63  }
0x2ee: {  	s24 =	sadd.s32 $0x40, s0;
	s26 =	simm.s32 $0x10480  }
0x2ef: {  	[hbm4b:s24+s4] =	stream.linear.scatter [tilespmem:s26], [sflag:$0x4], $0x80, $0x38;
	[tilespmem:$0x13F00] =	vst v63  }
0x2f0: {  	s28 =	sadd.s32 $0x80, s0;
	s29 =	simm.s32 $0x10880  }
0x2f1: {  	[hbm4b:s28+s4] =	stream.linear.scatter [tilespmem:s29], [sflag:$0x4], $0x80, $0x38;
	[tilespmem:$0x13F00] =	vst v63  }
0x2f2: {  	s31 =	simm.s32 $0x10C80;
	s30 =	sadd.s32 $0xC0, s0  }
0x2f3: {  	[hbm4b:s30+s4] =	stream.linear.scatter [tilespmem:s31], [sflag:$0x4], $0x80, $0x38;
	[tilespmem:$0x13F00] =	vst v63  }
0x2f4: {  	s5 =	sadd.s32 $0x100, s0;
	s6 =	simm.s32 $0x11080  }
0x2f5: {  	[hbm4b:s5+s4] =	stream.linear.scatter [tilespmem:s6], [sflag:$0x4], $0x80, $0x38;
	[tilespmem:$0x13F00] =	vst v63  }
0x2f6: {  	s7 =	sadd.s32 $0x140, s0;
	s8 =	simm.s32 $0x11480  }
0x2f7: {  	[hbm4b:s7+s4] =	stream.linear.scatter [tilespmem:s8], [sflag:$0x4], $0x80, $0x38;
	[tilespmem:$0x13F00] =	vst v63  }
0x2f8: {  	s9 =	sadd.s32 $0x180, s0;
	s10 =	simm.s32 $0x11880  }
0x2f9: {  	[hbm4b:s9+s4] =	stream.linear.scatter [tilespmem:s10], [sflag:$0x4], $0x80, $0x38;
	[tilespmem:$0x13F00] =	vst v63  }
0x2fa: {  	s11 =	sadd.s32 $0x1C0, s0;
	s12 =	simm.s32 $0x11C80  }
0x2fb: {  	[hbm4b:s11+s4] =	stream.linear.scatter [tilespmem:s12], [sflag:$0x4], $0x80, $0x38;
	[tilespmem:$0x13F00] =	vst v63  }
0x2fc: {  	s13 =	sadd.s32 $0x200, s0;
	s14 =	simm.s32 $0x12080  }
0x2fd: {  	[hbm4b:s13+s4] =	stream.linear.scatter [tilespmem:s14], [sflag:$0x4], $0x80, $0x38;
	[tilespmem:$0x13F00] =	vst v63  }
0x2fe: {  	s16 =	sadd.s32 $0x240, s0;
	s18 =	simm.s32 $0x12480  }
0x2ff: {  	[hbm4b:s16+s4] =	stream.linear.scatter [tilespmem:s18], [sflag:$0x4], $0x80, $0x38;
	[tilespmem:$0x13F00] =	vst v63  }
0x300: {  	s19 =	sadd.s32 $0x280, s0;
	s20 =	simm.s32 $0x12880  }
0x301: {  	[hbm4b:s19+s4] =	stream.linear.scatter [tilespmem:s20], [sflag:$0x4], $0x80, $0x38;
	[tilespmem:$0x13F00] =	vst v63  }
0x302: {  	s21 =	sadd.s32 $0x2C0, s0;
	s22 =	simm.s32 $0x12C80  }
0x303: {  	[hbm4b:s21+s4] =	stream.linear.scatter [tilespmem:s22], [sflag:$0x4], $0x80, $0x38;
	[tilespmem:$0x13F00] =	vst v63  }
0x304: {  	s1 =	sadd.s32 $0x1, s1;
	s23 =	sadd.s32 $0x300, s0;
	s24 =	simm.s32 $0x13080  }
0x305: {  	[hbm4b:s23+s4] =	stream.linear.scatter [tilespmem:s24], [sflag:$0x4], $0x80, $0x38;
	[tilespmem:$0x13F00] =	vst v63  }
0x306: {  	p0 =	sne.s32 s1, $0x8;
	s26 =	sadd.s32 $0x340, s0;
	s28 =	simm.s32 $0x13480  }
0x307: {  	[hbm4b:s26+s4] =	stream.linear.scatter [tilespmem:s28], [sflag:$0x4], $0x80, $0x38;
	[tilespmem:$0x13F00] =	vst v63  }
.Ltmp5:
0x308: {  	_ = 	snop;
	(pc) =	sbr.rel @p0 .LBB2_2-.Ltmp5, $4  }
0x309: {  	s29 =	sadd.s32 $0x380, s0;
	s30 =	simm.s32 $0x13880  }
0x30a: {  	[hbm4b:s29+s4] =	stream.linear.scatter [tilespmem:s30], [sflag:$0x4], $0x80, $0x38;
	[tilespmem:$0x13F00] =	vst v63  }
0x30b: {  	s0 =	sadd.s32 $0x3C0, s0;
	s31 =	simm.s32 $0x13C80  }
0x30c: {  	[hbm4b:s0+s4] =	stream.linear.scatter [tilespmem:s31], [sflag:$0x4], $0x80, $0x38;
	[tilespmem:$0x13F00] =	vst v63  }
0x30d: {  	s0 =	simm.s32 $0x3  }
0x30e: {  	_ =	swait.ge [sflag:s0], $0x4000  }
0x30f: {  	[sflag:s0] =	ssyncset.done $0x0  }
0x310: {  	[sflag:s0] =	ssyncadd.s32 $0xFFFFC000  }
0x311: {  	_ =	swait.ge [sflag:s0], $0x800  }
0x312: {  	[sflag:s0] =	ssyncset.done $0x0  }
0x313: {  	[sflag:s0] =	ssyncadd.s32 $0xFFFFF800  }
0x314: {  	_ =	swait.ge [sflag:s0], $0x800  }
0x315: {  	[sflag:s0] =	ssyncset.done $0x0  }
0x316: {  	[sflag:s0] =	ssyncadd.s32 $0xFFFFF800  }
0x317: {  	_ =	swait.ge [sflag:s0], $0x800  }
0x318: {  	[sflag:s0] =	ssyncset.done $0x0  }
0x319: {  	[sflag:s0] =	ssyncadd.s32 $0xFFFFF800  }
0x31a: {  	_ =	swait.ge [sflag:s0], $0x800  }
0x31b: {  	[sflag:s0] =	ssyncset.done $0x0  }
0x31c: {  	[sflag:s0] =	ssyncadd.s32 $0xFFFFF800  }
0x31d: {  	_ =	swait.ge [sflag:s25], $0x4000  }
0x31e: {  	[sflag:s25] =	ssyncset.done $0x0  }
0x31f: {  	[sflag:s25] =	ssyncadd.s32 $0xFFFFC000  }
0x320: {  	_ =	swait.ge [sflag:s25], $0x800  }
0x321: {  	[sflag:s25] =	ssyncset.done $0x0  }
0x322: {  	[sflag:s25] =	ssyncadd.s32 $0xFFFFF800  }
0x323: {  	_ =	swait.ge [sflag:s25], $0x800  }
0x324: {  	[sflag:s25] =	ssyncset.done $0x0  }
0x325: {  	[sflag:s25] =	ssyncadd.s32 $0xFFFFF800  }
0x326: {  	_ =	swait.ge [sflag:s25], $0x800  }
0x327: {  	[sflag:s25] =	ssyncset.done $0x0  }
0x328: {  	[sflag:s25] =	ssyncadd.s32 $0xFFFFF800  }
0x329: {  	_ =	swait.ge [sflag:s25], $0x800  }
0x32a: {  	s1 =	rddreg [dreg:$0x14]  }
0x32b: {  	s31 =	rddreg [dreg:$0xe];
	s1 =	sadd.s32 $0x1, s1  }
0x32c: {  	p0 =	sne.s32 s1, s31  }
.Ltmp6:
0x32d: {  	_ = 	snop;
	(pc) =	sbr.rel @p0 .LBB2_1-.Ltmp6, $3  }
0x32e: {  	_ =	sdelay $0x1  }
0x32f: {  	[sflag:s25] =	ssyncset.done $0x0  }
0x330: {  	[sflag:s25] =	ssyncadd.s32 $0xFFFFF800  }
0x331: {  	_ =	sfence.sel $0x180000  }
0x332: {  	[bflag:$0x0] =	sbarrier.arrive $0xFFFF  }
0x333: {  	_ =	strace $0x90000047  }
0x334: {  	s0 =	stileid.u32;
	[bflag:$0x2] =	sbarrier.arrive $0xFFFF  }
0x335: {  	p0 =	sne.s32 s0, $0x0;
	s0 =	rddreg [dreg:$0x4]  }
0x336: {  	s0 =	sadd.s32 @!p0 $0x100000, s0  }
0x337: {  	[sflag:s0] =	ssyncadd.tile.s32 @!p0 $0x1;
	_ =	shalt  }
.Lfunc_end2:
_tile_overlayer_lowered:
.L_overlay_start_2:
0x338: {  	(tag) =	ssettag $0x2  }
0x339: {  	s0 =	rddreg [dreg:$0x0];
	s2 =	stileid.u32  }
0x33a: {  	s1 =	rddreg [dreg:$0x1];
	p0 =	sne.s32 s2, $0x0  }
0x33b: {  	s3 =	rddreg [dreg:$0x2];
	[bflag:$0x3] =	sbarrier.arrive $0xFFFF;
	s2 =	simm.s32 @!p0 $0x1C05  }
0x33c: {  	[timem:s3], [sflag:s2] =	dma.local @!p0 [hbm:s0], s1  }
0x33d: {  	s0 =	simm.s32 @!p0 $0x5  }
0x33e: {  	_ =	swait.ge @!p0 [sflag:s0], s1  }
0x33f: {  	s1 =	ssub.s32 @!p0 $0x0, s1;
	[sflag:s0] =	ssyncset.done @!p0 $0x0  }
0x340: {  	[sflag:s0] =	ssyncadd.s32 @!p0 s1  }
0x341: {  	[bflag:$0x3] =	sbarrier.arrive $0xFFFF  }
0x342: {  	_ =	shalt  }

</sc_bundles>
